<compile_context>
chip_gen: v7x
topology: tpu7x:2x2x1
jax: 0.10.2.dev20260603
libtpu: 0.0.44.dev20260713+nightly
codegen_flags: <defaults>
</compile_context>

<pallas_src>
import functools

import jax
import jax.numpy as jnp
import numpy as np
from jax.experimental import pallas as pl
from jax.experimental.pallas import tpu as pltpu

BS = 4
N = 2048
RATE = 0.9
N1 = int(N * RATE)
N2 = int(N * RATE ** 2)
N3 = int(N * RATE ** 3)

_INF = 3.0e38


def _rup(x, m):
    return (x + m - 1) // m * m



def _fps_body(xyz_ref, out_ref, *, npoint, mreal):
    xs = xyz_ref[0]
    ys = xyz_ref[1]
    zs = xyz_ref[2]
    b, mp = xs.shape
    np_pad = out_ref.shape[1]
    lane = jax.lax.broadcasted_iota(jnp.int32, (b, mp), 1)
    oiota = jax.lax.broadcasted_iota(jnp.int32, (b, np_pad), 1)
    riota = jax.lax.broadcasted_iota(jnp.int32, (b, np_pad), 0)
    oiota = oiota + jnp.minimum(riota, 0)
    dist0 = jnp.where(lane < mreal, jnp.float32(1e10), jnp.float32(-1.0))
    far0 = jnp.zeros((b, 1), jnp.int32)
    cent0 = jnp.zeros((b, np_pad), jnp.int32)

    def body(i, carry):
        distance, far, cent = carry
        cent = cent + (oiota == i).astype(jnp.int32) * far
        onehot = lane == far
        cx = jnp.sum(jnp.where(onehot, xs, 0.0), axis=1, keepdims=True)
        cy = jnp.sum(jnp.where(onehot, ys, 0.0), axis=1, keepdims=True)
        cz = jnp.sum(jnp.where(onehot, zs, 0.0), axis=1, keepdims=True)
        dx = xs - cx
        dy = ys - cy
        dz = zs - cz
        d = dx * dx + dy * dy + dz * dz
        distance = jnp.minimum(distance, d)
        m = jnp.max(distance, axis=1, keepdims=True)
        far = jnp.min(jnp.where(distance == m, lane, mp), axis=1, keepdims=True)
        return distance, far.astype(jnp.int32), cent

    _, _, cent = jax.lax.fori_loop(0, npoint, body, (dist0, far0, cent0))
    out_ref[...] = cent


def _fps(xyz, npoint, mreal):
    b, m, _ = xyz.shape
    bp = _rup(b, 8)
    mp = _rup(m, 128)
    xt = jnp.transpose(xyz, (2, 0, 1))
    xt = jnp.pad(xt, ((0, 0), (0, bp - b), (0, mp - m)))
    np_pad = _rup(npoint, 128)
    out = pl.pallas_call(
        functools.partial(_fps_body, npoint=npoint, mreal=mreal),
        out_shape=jax.ShapeDtypeStruct((bp, np_pad), jnp.int32),
    )(xt)
    return out[:b, :npoint]



def _knn_body(pcm_ref, ppm_ref, out_ref, *, k, mreal, mp, bq):
    a = pcm_ref[0]
    xs = a[0:1, :]
    ys = a[1:2, :]
    zs = a[2:3, :]
    q = ppm_ref[0]
    xq = q[:, 0:1]
    yq = q[:, 1:2]
    zq = q[:, 2:3]
    p2 = xs * xs + ys * ys + zs * zs
    q2 = xq * xq + yq * yq + zq * zq
    dot = jax.lax.dot_general(q, a, (((1,), (0,)), ((), ())),
                              preferred_element_type=jnp.float32)
    d = (q2 + p2) - 2.0 * dot
    lane = jax.lax.broadcasted_iota(jnp.int32, (bq, mp), 1)
    d = jnp.where(lane < mreal, d, _INF)
    kiota = jax.lax.broadcasted_iota(jnp.int32, (bq, k), 1)
    idxs0 = jnp.zeros((bq, k), jnp.int32)

    def body(i, carry):
        d, idxs = carry
        m = jnp.min(d, axis=1, keepdims=True)
        eq = d == m
        idx = jnp.min(jnp.where(eq, lane, mp), axis=1, keepdims=True)
        idxs = idxs + (kiota == i).astype(jnp.int32) * idx
        d = jnp.where(lane == idx, _INF, d)
        return d, idxs

    _, idxs = jax.lax.fori_loop(0, k, body, (d, idxs0))
    out_ref[0] = idxs


def _knn(xyz, k, mreal):
    b, m, _ = xyz.shape
    mp = _rup(m, 128)
    bq = 256
    nqb = mp // bq
    pcm = jnp.pad(jnp.transpose(xyz, (2, 0, 1)), ((0, 0), (0, 0), (0, mp - m)))
    pcm = jnp.transpose(pcm, (1, 0, 2))
    ppm = jnp.pad(xyz, ((0, 0), (0, mp - m), (0, 0)))
    out = pl.pallas_call(
        functools.partial(_knn_body, k=k, mreal=mreal, mp=mp, bq=bq),
        grid=(b, nqb),
        in_specs=[
            pl.BlockSpec((1, 3, mp), lambda i, j: (i, 0, 0)),
            pl.BlockSpec((1, bq, 3), lambda i, j: (i, j, 0)),
        ],
        out_specs=pl.BlockSpec((1, bq, k), lambda i, j: (i, j, 0)),
        out_shape=jax.ShapeDtypeStruct((b, mp, k), jnp.int32),
    )(pcm, ppm)
    return out[:, :m, :]



def _index_points(points, idx):
    b = points.shape[0]
    bidx = jnp.arange(b).reshape((b,) + (1,) * (idx.ndim - 1))
    return points[bidx, idx]


def _apply_mlp(layers, x, final_proc, conv_dim):
    axes = (0,) + tuple(range(2, 2 + conv_dim))
    nl = len(layers)
    for i, lyr in enumerate(layers):
        if conv_dim == 1:
            x = jnp.einsum('oc,bcn->bon', lyr['W'], x) + lyr['b'][None, :, None]
        else:
            x = jnp.einsum('oc,bcnk->bonk', lyr['W'], x) + lyr['b'][None, :, None, None]
        if i < nl - 1 or final_proc:
            mean = jnp.mean(x, axis=axes, keepdims=True)
            var = jnp.var(x, axis=axes, keepdims=True)
            xn = (x - mean) / jnp.sqrt(var + 1e-5)
            g = lyr['gamma'].reshape((1, -1) + (1,) * conv_dim)
            bta = lyr['beta'].reshape((1, -1) + (1,) * conv_dim)
            x = jax.nn.relu(xn * g + bta)
    return x


def _square_distance(src, dst):
    return (jnp.sum(src ** 2, -1)[:, :, None] + jnp.sum(dst ** 2, -1)[:, None, :]
            - 2.0 * jnp.einsum('bnc,bmc->bnm', src, dst))


def _down_sample(xyz, fea, n_center, n_near, layers):
    m = xyz.shape[1]
    knn_idx = _knn(xyz, n_near, m)
    fps_idx = _fps(xyz, n_center, m)
    center_xyz = _index_points(xyz, fps_idx)
    group_idx = _index_points(knn_idx, fps_idx)
    group_xyz = _index_points(xyz, group_idx)
    xyz_rel = group_xyz - center_xyz[:, :, None, :]
    group_fea = _index_points(fea, group_idx)
    group_fea = jnp.concatenate([group_fea, xyz_rel], -1).transpose(0, 3, 1, 2)
    new_fea = _apply_mlp(layers, group_fea, True, 2)
    new_fea = jnp.max(new_fea, axis=3).transpose(0, 2, 1)
    return center_xyz, new_fea


def _up_sample(xyz1, xyz2, fea1, fea2, layers):
    d = _square_distance(xyz1, xyz2)
    negd, idx = jax.lax.top_k(-d, 3)
    dists = -negd
    dist_recip = 1.0 / (dists + 1e-08)
    norm = jnp.sum(dist_recip, 2, keepdims=True)
    weight = dist_recip / norm
    interp = jnp.sum(_index_points(fea2, idx) * weight[:, :, :, None], axis=2)
    new_fea = jnp.concatenate([fea1, interp], -1)
    return _apply_mlp(layers, new_fea.transpose(0, 2, 1), False, 1).transpose(0, 2, 1)


def kernel(xyz, params):
    l1_xyz, l1_fea = _down_sample(xyz, xyz, N1, 50, params['dn1'])
    l2_xyz, l2_fea = _down_sample(l1_xyz, l1_fea, N2, 40, params['dn2'])
    l3_xyz, l3_fea = _down_sample(l2_xyz, l2_fea, N3, 30, params['dn3'])
    l2_fea = _up_sample(l2_xyz, l3_xyz, l2_fea, l3_fea, params['up3'])
    l1_fea = _up_sample(l1_xyz, l2_xyz, l1_fea, l2_fea, params['up2'])
    l0_fea = _up_sample(xyz, l1_xyz, jnp.concatenate([xyz, xyz], 2), l1_fea,
                        params['up1']).transpose(0, 2, 1)
    pmt = _apply_mlp(params['pmt'], l0_fea, False, 1).transpose(0, 2, 1)
    log_pmt = jax.nn.log_softmax(pmt, axis=2)
    mad = _apply_mlp(params['mad'], l0_fea, False, 1).transpose(0, 2, 1)
    dim = jnp.squeeze(_apply_mlp(params['dim'], l0_fea, False, 1))
    nor = _apply_mlp(params['nor'], l0_fea, False, 1).transpose(0, 2, 1)
    loc = _apply_mlp(params['loc'], l0_fea, False, 1).transpose(0, 2, 1)
    return (log_pmt, mad, dim, nor, loc)

# --- scband reference (transcript-rebuilt; emitter-appended) ---
"""Pipeline reference for scband-cst-pcd-36369783062855 (READ-ONLY COPY).

The authoritative reference and input builder live on the scoring server;
editing this copy changes nothing except your own understanding.
"""

import jax, jax.numpy as jnp
import numpy as np

BS = 4
N = 2048
RATE = 0.9
N1 = int(N * RATE)
N2 = int(N * RATE ** 2)
N3 = int(N * RATE ** 3)


def square_distance(src, dst):
    return jnp.sum(src ** 2, -1)[:, :, None] + jnp.sum(dst ** 2, -1)[:, None, :] - 2.0 * jnp.einsum('bnc,bmc->bnm', src, dst)


def knn(xyz, k):
    d = square_distance(xyz, xyz)
    _, idx = jax.lax.top_k(-d, k)
    return idx


def fps(xyz, npoint):
    B, n, _ = xyz.shape

    def body(i, state):
        centroids, distance, farthest = state
        centroids = centroids.at[:, i].set(farthest)
        centroid = jnp.take_along_axis(xyz, farthest[:, None, None], axis=1)
        dist = jnp.sum((xyz - centroid) ** 2, -1)
        distance = jnp.minimum(distance, dist)
        farthest = jnp.argmax(distance, -1).astype(jnp.int32)
        return (centroids, distance, farthest)

    state = (jnp.zeros((B, npoint), jnp.int32), jnp.full((B, n), 1e10, jnp.float32), jnp.zeros((B,), jnp.int32))
    centroids, _, _ = jax.lax.fori_loop(0, npoint, body, state)
    return centroids


def index_points(points, idx):
    B = points.shape[0]
    bidx = jnp.arange(B).reshape((B,) + (1,) * (idx.ndim - 1))
    return points[bidx, idx]


def apply_mlp(layers, x, final_proc, conv_dim):
    axes = (0,) + tuple(range(2, 2 + conv_dim))
    nl = len(layers)
    for i, lyr in enumerate(layers):
        if conv_dim == 1:
            x = jnp.einsum('oc,bcn->bon', lyr['W'], x) + lyr['b'][None, :, None]
        else:
            x = jnp.einsum('oc,bcnk->bonk', lyr['W'], x) + lyr['b'][None, :, None, None]
        if i < nl - 1 or final_proc:
            mean = jnp.mean(x, axis=axes, keepdims=True)
            var = jnp.var(x, axis=axes, keepdims=True)
            xn = (x - mean) / jnp.sqrt(var + 1e-5)
            g = lyr['gamma'].reshape((1, -1) + (1,) * conv_dim)
            bta = lyr['beta'].reshape((1, -1) + (1,) * conv_dim)
            x = jax.nn.relu(xn * g + bta)
    return x


def down_sample(xyz, fea, n_center, n_near, layers, knn_idx=None, fps_idx=None):
    if knn_idx is None:
        knn_idx = knn(xyz, n_near)
    if fps_idx is None:
        fps_idx = fps(xyz, n_center)
    center_xyz = index_points(xyz, fps_idx)
    group_idx = index_points(knn_idx, fps_idx)
    group_xyz = index_points(xyz, group_idx)
    xyz_rel = group_xyz - center_xyz[:, :, None, :]
    group_fea = index_points(fea, group_idx)
    group_fea = jnp.concatenate([group_fea, xyz_rel], -1).transpose(0, 3, 1, 2)
    new_fea = apply_mlp(layers, group_fea, True, 2)
    new_fea = jnp.max(new_fea, axis=3).transpose(0, 2, 1)
    return center_xyz, new_fea


def up_sample(xyz1, xyz2, fea1, fea2, layers):
    d = square_distance(xyz1, xyz2)
    negd, idx = jax.lax.top_k(-d, 3)
    dists = -negd
    dist_recip = 1.0 / (dists + 1e-08)
    norm = jnp.sum(dist_recip, 2, keepdims=True)
    weight = dist_recip / norm
    interp = jnp.sum(index_points(fea2, idx) * weight[:, :, :, None], axis=2)
    new_fea = jnp.concatenate([fea1, interp], -1)
    return apply_mlp(layers, new_fea.transpose(0, 2, 1), False, 1).transpose(0, 2, 1)


def _init_mlp(key, channels):
    layers = []
    for i in range(len(channels) - 1):
        key, k1 = jax.random.split(key)
        layers.append({'W': jax.random.normal(k1, (channels[i + 1], channels[i]), jnp.float32) / np.sqrt(channels[i]),
                       'b': jnp.zeros((channels[i + 1],), jnp.float32),
                       'gamma': jnp.ones((channels[i + 1],), jnp.float32),
                       'beta': jnp.zeros((channels[i + 1],), jnp.float32)})
    return layers


def _dch(cin, cout):
    return (cin + 3, int(((cin + 3) * cout) ** 0.5), cout)


MLP_SPECS = {'dn1': _dch(3, 64), 'dn2': _dch(64, 128), 'dn3': _dch(128, 256),
             'up3': (384, 256, 128), 'up2': (192, 128, 64), 'up1': (70, 64, 32),
             'pmt': (32, 16, 5), 'mad': (32, 16, 3), 'dim': (32, 16, 1),
             'nor': (32, 16, 3), 'loc': (32, 16, 3)}


def setup_inputs(seed: int = 0):
    key = jax.random.key(seed)
    kx, kp = jax.random.split(key)
    xyz = jax.random.normal(kx, (BS, N, 3), jnp.float32)
    params = {}
    for name, ch in MLP_SPECS.items():
        kp, sub = jax.random.split(kp)
        params[name] = _init_mlp(sub, ch)
    return {'xyz': xyz, 'params': params}


def reference(xyz, params):
    l1_xyz, l1_fea = down_sample(xyz, xyz, N1, 50, params['dn1'])
    l2_xyz, l2_fea = down_sample(l1_xyz, l1_fea, N2, 40, params['dn2'])
    l3_xyz, l3_fea = down_sample(l2_xyz, l2_fea, N3, 30, params['dn3'])
    l2_fea = up_sample(l2_xyz, l3_xyz, l2_fea, l3_fea, params['up3'])
    l1_fea = up_sample(l1_xyz, l2_xyz, l1_fea, l2_fea, params['up2'])
    l0_fea = up_sample(xyz, l1_xyz, jnp.concatenate([xyz, xyz], 2), l1_fea, params['up1']).transpose(0, 2, 1)
    pmt = apply_mlp(params['pmt'], l0_fea, False, 1).transpose(0, 2, 1)
    log_pmt = jax.nn.log_softmax(pmt, axis=2)
    mad = apply_mlp(params['mad'], l0_fea, False, 1).transpose(0, 2, 1)
    dim = jnp.squeeze(apply_mlp(params['dim'], l0_fea, False, 1))
    nor = apply_mlp(params['nor'], l0_fea, False, 1).transpose(0, 2, 1)
    loc = apply_mlp(params['loc'], l0_fea, False, 1).transpose(0, 2, 1)
    return (log_pmt, mad, dim, nor, loc)

if __name__ == "__main__":
    import jax
    _d = setup_inputs()
    print(jax.jit(kernel)(*tuple(_d.values())))

</pallas_src>

<mosaic_0001>
module attributes {stable_mosaic.version = 14 : i64} {
  func.func @_fps_body(%arg0: memref<3x8x2048xf32, #tpu.memory_space<vmem>>, %arg1: memref<8x1920xi32, #tpu.memory_space<vmem>>) attributes {dimension_semantics = [], scalar_prefetch = 0 : i64, scratch_operands = 0 : i64, tpu.core_type = #tpu.core_type<tc>} {
    %get3A = arith.constant 0 : index
    %get3A_0 = arith.constant 0 : index
    %get3A_1 = arith.constant 0 : index
    %get3A_2 = vector.load %arg0[%get3A, %get3A_0, %get3A_1] : memref<3x8x2048xf32, #tpu.memory_space<vmem>>, vector<1x8x2048xf32>
    %get3A_3 = vector.shape_cast %get3A_2 : vector<1x8x2048xf32> to vector<8x2048xf32>
    %get3A_4 = arith.constant 1 : index
    %get3A_5 = arith.constant 0 : index
    %get3A_6 = arith.constant 0 : index
    %get3A_7 = vector.load %arg0[%get3A_4, %get3A_5, %get3A_6] : memref<3x8x2048xf32, #tpu.memory_space<vmem>>, vector<1x8x2048xf32>
    %get3A_8 = vector.shape_cast %get3A_7 : vector<1x8x2048xf32> to vector<8x2048xf32>
    %get3A_9 = arith.constant 2 : index
    %get3A_10 = arith.constant 0 : index
    %get3A_11 = arith.constant 0 : index
    %get3A_12 = vector.load %arg0[%get3A_9, %get3A_10, %get3A_11] : memref<3x8x2048xf32, #tpu.memory_space<vmem>>, vector<1x8x2048xf32>
    %get3A_13 = vector.shape_cast %get3A_12 : vector<1x8x2048xf32> to vector<8x2048xf32>
    %iota3A = tpu.iota {dimensions = array<i32: 1>} : vector<8x2048xi32>
    %iota3A_14 = tpu.iota {dimensions = array<i32: 1>} : vector<8x1920xi32>
    %iota3A_15 = tpu.iota {dimensions = array<i32: 0>} : vector<8x1920xi32>
    %min3A = arith.constant 0 : i32
    %min3A_16 = vector.broadcast %min3A : i32 to vector<8x1920xi32>
    %min3A_17 = arith.minsi %iota3A_15, %min3A_16 : vector<8x1920xi32>
    %add3A = arith.addi %iota3A_14, %min3A_17 : vector<8x1920xi32>
    %lt3A = arith.constant 2048 : i32
    %lt3A_18 = vector.broadcast %lt3A : i32 to vector<8x2048xi32>
    %lt3A_19 = arith.cmpi slt, %iota3A, %lt3A_18 : vector<8x2048xi32>
    %jit3A = arith.constant 1.000000e+10 : f32
    %jit3A_20 = arith.constant -1.000000e+00 : f32
    %broadcast_in_dim3A = vector.broadcast %jit3A : f32 to vector<8x2048xf32>
    %broadcast_in_dim3A_21 = vector.broadcast %jit3A_20 : f32 to vector<8x2048xf32>
    %select_n3A = arith.select %lt3A_19, %broadcast_in_dim3A, %broadcast_in_dim3A_21 : vector<8x2048xi1>, vector<8x2048xf32>
    %broadcast_in_dim3A_22 = arith.constant 0 : i32
    %broadcast_in_dim3A_23 = vector.broadcast %broadcast_in_dim3A_22 : i32 to vector<8x1xi32>
    %broadcast_in_dim3A_24 = arith.constant 0 : i32
    %broadcast_in_dim3A_25 = vector.broadcast %broadcast_in_dim3A_24 : i32 to vector<8x1920xi32>
    %scan3A = arith.constant 0 : i32
    %scan3A_26 = arith.constant 1843 : i32
    %scan3A_27 = arith.addi %scan3A, %scan3A_26 : i32
    %scan3A_28 = arith.constant 1 : i32
    %scan3A_29:3 = scf.for %scan3A_33 = %scan3A to %scan3A_27 step %scan3A_28 iter_args(%scan3A_34 = %select_n3A, %scan3A_35 = %broadcast_in_dim3A_23, %scan3A_36 = %broadcast_in_dim3A_25) -> (vector<8x2048xf32>, vector<8x1xi32>, vector<8x1920xi32>)  : i32 {
      %eq3A = vector.broadcast %scan3A_33 : i32 to vector<8x1920xi32>
      %eq3A_37 = arith.cmpi eq, %add3A, %eq3A : vector<8x1920xi32>
      %convert_element_type3A = arith.extui %eq3A_37 : vector<8x1920xi1> to vector<8x1920xi32>
      %mul3A = vector.broadcast %scan3A_35 : vector<8x1xi32> to vector<8x1920xi32>
      %mul3A_38 = arith.muli %convert_element_type3A, %mul3A : vector<8x1920xi32>
      %add3A_39 = arith.addi %scan3A_36, %mul3A_38 : vector<8x1920xi32>
      %eq3A_40 = vector.broadcast %scan3A_35 : vector<8x1xi32> to vector<8x2048xi32>
      %eq3A_41 = arith.cmpi eq, %iota3A, %eq3A_40 : vector<8x2048xi32>
      %jit3A_42 = arith.constant 0.000000e+00 : f32
      %broadcast_in_dim3A_43 = vector.broadcast %jit3A_42 : f32 to vector<8x2048xf32>
      %select_n3A_44 = arith.select %eq3A_41, %get3A_3, %broadcast_in_dim3A_43 : vector<8x2048xi1>, vector<8x2048xf32>
      %reduce_sum3A = arith.constant dense<0.000000e+00> : vector<8xf32>
      %reduce_sum3A_45 = vector.multi_reduction <add>, %select_n3A_44, %reduce_sum3A [1] : vector<8x2048xf32> to vector<8xf32>
      %broadcast_in_dim3A_46 = vector.shape_cast %reduce_sum3A_45 : vector<8xf32> to vector<8x1xf32>
      %jit3A_47 = arith.constant 0.000000e+00 : f32
      %broadcast_in_dim3A_48 = vector.broadcast %jit3A_47 : f32 to vector<8x2048xf32>
      %select_n3A_49 = arith.select %eq3A_41, %get3A_8, %broadcast_in_dim3A_48 : vector<8x2048xi1>, vector<8x2048xf32>
      %reduce_sum3A_50 = arith.constant dense<0.000000e+00> : vector<8xf32>
      %reduce_sum3A_51 = vector.multi_reduction <add>, %select_n3A_49, %reduce_sum3A_50 [1] : vector<8x2048xf32> to vector<8xf32>
      %broadcast_in_dim3A_52 = vector.shape_cast %reduce_sum3A_51 : vector<8xf32> to vector<8x1xf32>
      %jit3A_53 = arith.constant 0.000000e+00 : f32
      %broadcast_in_dim3A_54 = vector.broadcast %jit3A_53 : f32 to vector<8x2048xf32>
      %select_n3A_55 = arith.select %eq3A_41, %get3A_13, %broadcast_in_dim3A_54 : vector<8x2048xi1>, vector<8x2048xf32>
      %reduce_sum3A_56 = arith.constant dense<0.000000e+00> : vector<8xf32>
      %reduce_sum3A_57 = vector.multi_reduction <add>, %select_n3A_55, %reduce_sum3A_56 [1] : vector<8x2048xf32> to vector<8xf32>
      %broadcast_in_dim3A_58 = vector.shape_cast %reduce_sum3A_57 : vector<8xf32> to vector<8x1xf32>
      %sub3A = vector.broadcast %broadcast_in_dim3A_46 : vector<8x1xf32> to vector<8x2048xf32>
      %sub3A_59 = arith.subf %get3A_3, %sub3A : vector<8x2048xf32>
      %sub3A_60 = vector.broadcast %broadcast_in_dim3A_52 : vector<8x1xf32> to vector<8x2048xf32>
      %sub3A_61 = arith.subf %get3A_8, %sub3A_60 : vector<8x2048xf32>
      %sub3A_62 = vector.broadcast %broadcast_in_dim3A_58 : vector<8x1xf32> to vector<8x2048xf32>
      %sub3A_63 = arith.subf %get3A_13, %sub3A_62 : vector<8x2048xf32>
      %mul3A_64 = arith.mulf %sub3A_59, %sub3A_59 : vector<8x2048xf32>
      %mul3A_65 = arith.mulf %sub3A_61, %sub3A_61 : vector<8x2048xf32>
      %add3A_66 = arith.addf %mul3A_64, %mul3A_65 : vector<8x2048xf32>
      %mul3A_67 = arith.mulf %sub3A_63, %sub3A_63 : vector<8x2048xf32>
      %add3A_68 = arith.addf %add3A_66, %mul3A_67 : vector<8x2048xf32>
      %min3A_69 = arith.minimumf %scan3A_34, %add3A_68 : vector<8x2048xf32>
      %reduce_max3A = arith.constant dense<0xFF800000> : vector<8xf32>
      %reduce_max3A_70 = vector.multi_reduction <maximumf>, %min3A_69, %reduce_max3A [1] : vector<8x2048xf32> to vector<8xf32>
      %broadcast_in_dim3A_71 = vector.shape_cast %reduce_max3A_70 : vector<8xf32> to vector<8x1xf32>
      %eq3A_72 = vector.broadcast %broadcast_in_dim3A_71 : vector<8x1xf32> to vector<8x2048xf32>
      %eq3A_73 = arith.cmpf oeq, %min3A_69, %eq3A_72 : vector<8x2048xf32>
      %jit3A_74 = arith.constant 2048 : i32
      %broadcast_in_dim3A_75 = vector.broadcast %jit3A_74 : i32 to vector<8x2048xi32>
      %select_n3A_76 = arith.select %eq3A_73, %iota3A, %broadcast_in_dim3A_75 : vector<8x2048xi1>, vector<8x2048xi32>
      %reduce_min3A = arith.constant dense<2147483647> : vector<8xi32>
      %reduce_min3A_77 = vector.multi_reduction <minsi>, %select_n3A_76, %reduce_min3A [1] : vector<8x2048xi32> to vector<8xi32>
      %broadcast_in_dim3A_78 = vector.shape_cast %reduce_min3A_77 : vector<8xi32> to vector<8x1xi32>
      scf.yield %min3A_69, %broadcast_in_dim3A_78, %add3A_39 : vector<8x2048xf32>, vector<8x1xi32>, vector<8x1920xi32>
    }
    %scan3A_30 = arith.constant 1843 : i32
    %swap3A = arith.constant 0 : index
    %swap3A_31 = arith.constant 0 : index
    %swap3A_32 = vector.load %arg1[%swap3A, %swap3A_31] : memref<8x1920xi32, #tpu.memory_space<vmem>>, vector<8x1920xi32>
    tpu.vector_store %arg1[%swap3A, %swap3A_31], %scan3A_29#2 {strides = array<i32>} : memref<8x1920xi32, #tpu.memory_space<vmem>>, vector<8x1920xi32>,
    return
  }
}

module attributes {stable_mosaic.version = 14 : i64} {
  func.func @_knn_body(%arg0: i32, %arg1: i32, %arg2: memref<1x3x2048xf32, #tpu.memory_space<vmem>>, %arg3: memref<1x256x3xf32, #tpu.memory_space<vmem>>, %arg4: memref<1x256x50xi32, #tpu.memory_space<vmem>>) attributes {dimension_semantics = [#tpu.dimension_semantics<arbitrary>, #tpu.dimension_semantics<arbitrary>], iteration_bounds = array<i64: 4, 8>, scalar_prefetch = 0 : i64, scratch_operands = 0 : i64, tpu.core_type = #tpu.core_type<tc>, window_params = [{transform_indices = @transform_0, window_bounds = array<i64: 1, 3, 2048>}, {transform_indices = @transform_1, window_bounds = array<i64: 1, 256, 3>}, {transform_indices = @transform_2, window_bounds = array<i64: 1, 256, 50>}]} {
    %get3A = arith.constant 0 : index
    %get3A_0 = arith.constant 0 : index
    %get3A_1 = arith.constant 0 : index
    %get3A_2 = vector.load %arg2[%get3A, %get3A_0, %get3A_1] : memref<1x3x2048xf32, #tpu.memory_space<vmem>>, vector<1x3x2048xf32>
    %get3A_3 = vector.shape_cast %get3A_2 : vector<1x3x2048xf32> to vector<3x2048xf32>
    %slice3A = vector.extract_strided_slice %get3A_3 {offsets = [0, 0], sizes = [1, 2048], strides = [1, 1]} : vector<3x2048xf32> to vector<1x2048xf32>
    %slice3A_4 = vector.extract_strided_slice %get3A_3 {offsets = [1, 0], sizes = [1, 2048], strides = [1, 1]} : vector<3x2048xf32> to vector<1x2048xf32>
    %slice3A_5 = vector.extract_strided_slice %get3A_3 {offsets = [2, 0], sizes = [1, 2048], strides = [1, 1]} : vector<3x2048xf32> to vector<1x2048xf32>
    %get3A_6 = arith.constant 0 : index
    %get3A_7 = arith.constant 0 : index
    %get3A_8 = arith.constant 0 : index
    %get3A_9 = vector.load %arg3[%get3A_6, %get3A_7, %get3A_8] : memref<1x256x3xf32, #tpu.memory_space<vmem>>, vector<1x256x3xf32>
    %get3A_10 = vector.shape_cast %get3A_9 : vector<1x256x3xf32> to vector<256x3xf32>
    %slice3A_11 = vector.extract_strided_slice %get3A_10 {offsets = [0, 0], sizes = [256, 1], strides = [1, 1]} : vector<256x3xf32> to vector<256x1xf32>
    %slice3A_12 = vector.extract_strided_slice %get3A_10 {offsets = [0, 1], sizes = [256, 1], strides = [1, 1]} : vector<256x3xf32> to vector<256x1xf32>
    %slice3A_13 = vector.extract_strided_slice %get3A_10 {offsets = [0, 2], sizes = [256, 1], strides = [1, 1]} : vector<256x3xf32> to vector<256x1xf32>
    %mul3A = arith.mulf %slice3A, %slice3A : vector<1x2048xf32>
    %mul3A_14 = arith.mulf %slice3A_4, %slice3A_4 : vector<1x2048xf32>
    %add3A = arith.addf %mul3A, %mul3A_14 : vector<1x2048xf32>
    %mul3A_15 = arith.mulf %slice3A_5, %slice3A_5 : vector<1x2048xf32>
    %add3A_16 = arith.addf %add3A, %mul3A_15 : vector<1x2048xf32>
    %mul3A_17 = arith.mulf %slice3A_11, %slice3A_11 : vector<256x1xf32>
    %mul3A_18 = arith.mulf %slice3A_12, %slice3A_12 : vector<256x1xf32>
    %add3A_19 = arith.addf %mul3A_17, %mul3A_18 : vector<256x1xf32>
    %mul3A_20 = arith.mulf %slice3A_13, %slice3A_13 : vector<256x1xf32>
    %add3A_21 = arith.addf %add3A_19, %mul3A_20 : vector<256x1xf32>
    %dot_general3A = arith.constant dense<0.000000e+00> : vector<256x2048xf32>
    %dot_general3A_22 = tpu.matmul %get3A_10, %get3A_3, %dot_general3A {dimension_numbers = #tpu.dot_dimension_numbers<[1], [0], [0], [1], [0, 0, 1, 1], [], []>, transpose_lhs_hint = false} : vector<256x3xf32>, vector<3x2048xf32>, vector<256x2048xf32> -> vector<256x2048xf32>
    %add3A_23 = vector.broadcast %add3A_21 : vector<256x1xf32> to vector<256x2048xf32>
    %add3A_24 = vector.broadcast %add3A_16 : vector<1x2048xf32> to vector<256x2048xf32>
    %add3A_25 = arith.addf %add3A_23, %add3A_24 : vector<256x2048xf32>
    %mul3A_26 = arith.constant 2.000000e+00 : f32
    %mul3A_27 = vector.broadcast %mul3A_26 : f32 to vector<256x2048xf32>
    %mul3A_28 = arith.mulf %mul3A_27, %dot_general3A_22 : vector<256x2048xf32>
    %sub3A = arith.subf %add3A_25, %mul3A_28 : vector<256x2048xf32>
    %iota3A = tpu.iota {dimensions = array<i32: 1>} : vector<256x2048xi32>
    %lt3A = arith.constant 2048 : i32
    %lt3A_29 = vector.broadcast %lt3A : i32 to vector<256x2048xi32>
    %lt3A_30 = arith.cmpi slt, %iota3A, %lt3A_29 : vector<256x2048xi32>
    %jit3A = arith.constant 3.000000e+38 : f32
    %broadcast_in_dim3A = vector.broadcast %jit3A : f32 to vector<256x2048xf32>
    %select_n3A = arith.select %lt3A_30, %sub3A, %broadcast_in_dim3A : vector<256x2048xi1>, vector<256x2048xf32>
    %iota3A_31 = tpu.iota {dimensions = array<i32: 1>} : vector<256x50xi32>
    %broadcast_in_dim3A_32 = arith.constant 0 : i32
    %broadcast_in_dim3A_33 = vector.broadcast %broadcast_in_dim3A_32 : i32 to vector<256x50xi32>
    %scan3A = arith.constant 0 : i32
    %scan3A_34 = arith.constant 50 : i32
    %scan3A_35 = arith.addi %scan3A, %scan3A_34 : i32
    %scan3A_36 = arith.constant 1 : i32
    %scan3A_37:2 = scf.for %scan3A_44 = %scan3A to %scan3A_35 step %scan3A_36 iter_args(%scan3A_45 = %select_n3A, %scan3A_46 = %broadcast_in_dim3A_33) -> (vector<256x2048xf32>, vector<256x50xi32>)  : i32 {
      %reduce_min3A = arith.constant dense<0x7F800000> : vector<256xf32>
      %reduce_min3A_47 = vector.multi_reduction <minimumf>, %scan3A_45, %reduce_min3A [1] : vector<256x2048xf32> to vector<256xf32>
      %broadcast_in_dim3A_48 = vector.shape_cast %reduce_min3A_47 : vector<256xf32> to vector<256x1xf32>
      %eq3A = vector.broadcast %broadcast_in_dim3A_48 : vector<256x1xf32> to vector<256x2048xf32>
      %eq3A_49 = arith.cmpf oeq, %scan3A_45, %eq3A : vector<256x2048xf32>
      %jit3A_50 = arith.constant 2048 : i32
      %broadcast_in_dim3A_51 = vector.broadcast %jit3A_50 : i32 to vector<256x2048xi32>
      %select_n3A_52 = arith.select %eq3A_49, %iota3A, %broadcast_in_dim3A_51 : vector<256x2048xi1>, vector<256x2048xi32>
      %reduce_min3A_53 = arith.constant dense<2147483647> : vector<256xi32>
      %reduce_min3A_54 = vector.multi_reduction <minsi>, %select_n3A_52, %reduce_min3A_53 [1] : vector<256x2048xi32> to vector<256xi32>
      %broadcast_in_dim3A_55 = vector.shape_cast %reduce_min3A_54 : vector<256xi32> to vector<256x1xi32>
      %eq3A_56 = vector.broadcast %scan3A_44 : i32 to vector<256x50xi32>
      %eq3A_57 = arith.cmpi eq, %iota3A_31, %eq3A_56 : vector<256x50xi32>
      %convert_element_type3A = arith.extui %eq3A_57 : vector<256x50xi1> to vector<256x50xi32>
      %mul3A_58 = vector.broadcast %broadcast_in_dim3A_55 : vector<256x1xi32> to vector<256x50xi32>
      %mul3A_59 = arith.muli %convert_element_type3A, %mul3A_58 : vector<256x50xi32>
      %add3A_60 = arith.addi %scan3A_46, %mul3A_59 : vector<256x50xi32>
      %eq3A_61 = vector.broadcast %broadcast_in_dim3A_55 : vector<256x1xi32> to vector<256x2048xi32>
      %eq3A_62 = arith.cmpi eq, %iota3A, %eq3A_61 : vector<256x2048xi32>
      %jit3A_63 = arith.constant 3.000000e+38 : f32
      %broadcast_in_dim3A_64 = vector.broadcast %jit3A_63 : f32 to vector<256x2048xf32>
      %select_n3A_65 = arith.select %eq3A_62, %broadcast_in_dim3A_64, %scan3A_45 : vector<256x2048xi1>, vector<256x2048xf32>
      scf.yield %select_n3A_65, %add3A_60 : vector<256x2048xf32>, vector<256x50xi32>
    }
    %scan3A_38 = arith.constant 50 : i32
    %swap3A = arith.constant 0 : index
    %swap3A_39 = arith.constant 0 : index
    %swap3A_40 = arith.constant 0 : index
    %swap3A_41 = vector.load %arg4[%swap3A, %swap3A_39, %swap3A_40] : memref<1x256x50xi32, #tpu.memory_space<vmem>>, vector<1x256x50xi32>
    %swap3A_42 = vector.shape_cast %swap3A_41 : vector<1x256x50xi32> to vector<256x50xi32>
    %swap3A_43 = vector.shape_cast %scan3A_37#1 : vector<256x50xi32> to vector<1x256x50xi32>
    tpu.vector_store %arg4[%swap3A, %swap3A_39, %swap3A_40], %swap3A_43 {strides = array<i32>} : memref<1x256x50xi32, #tpu.memory_space<vmem>>, vector<1x256x50xi32>,
    return
  }
  func.func @transform_0(%arg0: i32, %arg1: i32) -> (i32, i32, i32) {
    %c0_i32 = arith.constant 0 : i32
    %c0_i32_0 = arith.constant 0 : i32
    %c0_i32_1 = arith.constant 0 : i32
    return %arg0, %c0_i32, %c0_i32_0 : i32, i32, i32
  }
  func.func @transform_1(%arg0: i32, %arg1: i32) -> (i32, i32, i32) {
    %c0_i32 = arith.constant 0 : i32
    %c0_i32_0 = arith.constant 0 : i32
    return %arg0, %arg1, %c0_i32 : i32, i32, i32
  }
  func.func @transform_2(%arg0: i32, %arg1: i32) -> (i32, i32, i32) {
    %c0_i32 = arith.constant 0 : i32
    %c0_i32_0 = arith.constant 0 : i32
    return %arg0, %arg1, %c0_i32 : i32, i32, i32
  }
}

module attributes {stable_mosaic.version = 14 : i64} {
  func.func @_fps_body(%arg0: memref<3x8x1920xf32, #tpu.memory_space<vmem>>, %arg1: memref<8x1664xi32, #tpu.memory_space<vmem>>) attributes {dimension_semantics = [], scalar_prefetch = 0 : i64, scratch_operands = 0 : i64, tpu.core_type = #tpu.core_type<tc>} {
    %get3A = arith.constant 0 : index
    %get3A_0 = arith.constant 0 : index
    %get3A_1 = arith.constant 0 : index
    %get3A_2 = vector.load %arg0[%get3A, %get3A_0, %get3A_1] : memref<3x8x1920xf32, #tpu.memory_space<vmem>>, vector<1x8x1920xf32>
    %get3A_3 = vector.shape_cast %get3A_2 : vector<1x8x1920xf32> to vector<8x1920xf32>
    %get3A_4 = arith.constant 1 : index
    %get3A_5 = arith.constant 0 : index
    %get3A_6 = arith.constant 0 : index
    %get3A_7 = vector.load %arg0[%get3A_4, %get3A_5, %get3A_6] : memref<3x8x1920xf32, #tpu.memory_space<vmem>>, vector<1x8x1920xf32>
    %get3A_8 = vector.shape_cast %get3A_7 : vector<1x8x1920xf32> to vector<8x1920xf32>
    %get3A_9 = arith.constant 2 : index
    %get3A_10 = arith.constant 0 : index
    %get3A_11 = arith.constant 0 : index
    %get3A_12 = vector.load %arg0[%get3A_9, %get3A_10, %get3A_11] : memref<3x8x1920xf32, #tpu.memory_space<vmem>>, vector<1x8x1920xf32>
    %get3A_13 = vector.shape_cast %get3A_12 : vector<1x8x1920xf32> to vector<8x1920xf32>
    %iota3A = tpu.iota {dimensions = array<i32: 1>} : vector<8x1920xi32>
    %iota3A_14 = tpu.iota {dimensions = array<i32: 1>} : vector<8x1664xi32>
    %iota3A_15 = tpu.iota {dimensions = array<i32: 0>} : vector<8x1664xi32>
    %min3A = arith.constant 0 : i32
    %min3A_16 = vector.broadcast %min3A : i32 to vector<8x1664xi32>
    %min3A_17 = arith.minsi %iota3A_15, %min3A_16 : vector<8x1664xi32>
    %add3A = arith.addi %iota3A_14, %min3A_17 : vector<8x1664xi32>
    %lt3A = arith.constant 1843 : i32
    %lt3A_18 = vector.broadcast %lt3A : i32 to vector<8x1920xi32>
    %lt3A_19 = arith.cmpi slt, %iota3A, %lt3A_18 : vector<8x1920xi32>
    %jit3A = arith.constant 1.000000e+10 : f32
    %jit3A_20 = arith.constant -1.000000e+00 : f32
    %broadcast_in_dim3A = vector.broadcast %jit3A : f32 to vector<8x1920xf32>
    %broadcast_in_dim3A_21 = vector.broadcast %jit3A_20 : f32 to vector<8x1920xf32>
    %select_n3A = arith.select %lt3A_19, %broadcast_in_dim3A, %broadcast_in_dim3A_21 : vector<8x1920xi1>, vector<8x1920xf32>
    %broadcast_in_dim3A_22 = arith.constant 0 : i32
    %broadcast_in_dim3A_23 = vector.broadcast %broadcast_in_dim3A_22 : i32 to vector<8x1xi32>
    %broadcast_in_dim3A_24 = arith.constant 0 : i32
    %broadcast_in_dim3A_25 = vector.broadcast %broadcast_in_dim3A_24 : i32 to vector<8x1664xi32>
    %scan3A = arith.constant 0 : i32
    %scan3A_26 = arith.constant 1658 : i32
    %scan3A_27 = arith.addi %scan3A, %scan3A_26 : i32
    %scan3A_28 = arith.constant 1 : i32
    %scan3A_29:3 = scf.for %scan3A_33 = %scan3A to %scan3A_27 step %scan3A_28 iter_args(%scan3A_34 = %select_n3A, %scan3A_35 = %broadcast_in_dim3A_23, %scan3A_36 = %broadcast_in_dim3A_25) -> (vector<8x1920xf32>, vector<8x1xi32>, vector<8x1664xi32>)  : i32 {
      %eq3A = vector.broadcast %scan3A_33 : i32 to vector<8x1664xi32>
      %eq3A_37 = arith.cmpi eq, %add3A, %eq3A : vector<8x1664xi32>
      %convert_element_type3A = arith.extui %eq3A_37 : vector<8x1664xi1> to vector<8x1664xi32>
      %mul3A = vector.broadcast %scan3A_35 : vector<8x1xi32> to vector<8x1664xi32>
      %mul3A_38 = arith.muli %convert_element_type3A, %mul3A : vector<8x1664xi32>
      %add3A_39 = arith.addi %scan3A_36, %mul3A_38 : vector<8x1664xi32>
      %eq3A_40 = vector.broadcast %scan3A_35 : vector<8x1xi32> to vector<8x1920xi32>
      %eq3A_41 = arith.cmpi eq, %iota3A, %eq3A_40 : vector<8x1920xi32>
      %jit3A_42 = arith.constant 0.000000e+00 : f32
      %broadcast_in_dim3A_43 = vector.broadcast %jit3A_42 : f32 to vector<8x1920xf32>
      %select_n3A_44 = arith.select %eq3A_41, %get3A_3, %broadcast_in_dim3A_43 : vector<8x1920xi1>, vector<8x1920xf32>
      %reduce_sum3A = arith.constant dense<0.000000e+00> : vector<8xf32>
      %reduce_sum3A_45 = vector.multi_reduction <add>, %select_n3A_44, %reduce_sum3A [1] : vector<8x1920xf32> to vector<8xf32>
      %broadcast_in_dim3A_46 = vector.shape_cast %reduce_sum3A_45 : vector<8xf32> to vector<8x1xf32>
      %jit3A_47 = arith.constant 0.000000e+00 : f32
      %broadcast_in_dim3A_48 = vector.broadcast %jit3A_47 : f32 to vector<8x1920xf32>
      %select_n3A_49 = arith.select %eq3A_41, %get3A_8, %broadcast_in_dim3A_48 : vector<8x1920xi1>, vector<8x1920xf32>
      %reduce_sum3A_50 = arith.constant dense<0.000000e+00> : vector<8xf32>
      %reduce_sum3A_51 = vector.multi_reduction <add>, %select_n3A_49, %reduce_sum3A_50 [1] : vector<8x1920xf32> to vector<8xf32>
      %broadcast_in_dim3A_52 = vector.shape_cast %reduce_sum3A_51 : vector<8xf32> to vector<8x1xf32>
      %jit3A_53 = arith.constant 0.000000e+00 : f32
      %broadcast_in_dim3A_54 = vector.broadcast %jit3A_53 : f32 to vector<8x1920xf32>
      %select_n3A_55 = arith.select %eq3A_41, %get3A_13, %broadcast_in_dim3A_54 : vector<8x1920xi1>, vector<8x1920xf32>
      %reduce_sum3A_56 = arith.constant dense<0.000000e+00> : vector<8xf32>
      %reduce_sum3A_57 = vector.multi_reduction <add>, %select_n3A_55, %reduce_sum3A_56 [1] : vector<8x1920xf32> to vector<8xf32>
      %broadcast_in_dim3A_58 = vector.shape_cast %reduce_sum3A_57 : vector<8xf32> to vector<8x1xf32>
      %sub3A = vector.broadcast %broadcast_in_dim3A_46 : vector<8x1xf32> to vector<8x1920xf32>
      %sub3A_59 = arith.subf %get3A_3, %sub3A : vector<8x1920xf32>
      %sub3A_60 = vector.broadcast %broadcast_in_dim3A_52 : vector<8x1xf32> to vector<8x1920xf32>
      %sub3A_61 = arith.subf %get3A_8, %sub3A_60 : vector<8x1920xf32>
      %sub3A_62 = vector.broadcast %broadcast_in_dim3A_58 : vector<8x1xf32> to vector<8x1920xf32>
      %sub3A_63 = arith.subf %get3A_13, %sub3A_62 : vector<8x1920xf32>
      %mul3A_64 = arith.mulf %sub3A_59, %sub3A_59 : vector<8x1920xf32>
      %mul3A_65 = arith.mulf %sub3A_61, %sub3A_61 : vector<8x1920xf32>
      %add3A_66 = arith.addf %mul3A_64, %mul3A_65 : vector<8x1920xf32>
      %mul3A_67 = arith.mulf %sub3A_63, %sub3A_63 : vector<8x1920xf32>
      %add3A_68 = arith.addf %add3A_66, %mul3A_67 : vector<8x1920xf32>
      %min3A_69 = arith.minimumf %scan3A_34, %add3A_68 : vector<8x1920xf32>
      %reduce_max3A = arith.constant dense<0xFF800000> : vector<8xf32>
      %reduce_max3A_70 = vector.multi_reduction <maximumf>, %min3A_69, %reduce_max3A [1] : vector<8x1920xf32> to vector<8xf32>
      %broadcast_in_dim3A_71 = vector.shape_cast %reduce_max3A_70 : vector<8xf32> to vector<8x1xf32>
      %eq3A_72 = vector.broadcast %broadcast_in_dim3A_71 : vector<8x1xf32> to vector<8x1920xf32>
      %eq3A_73 = arith.cmpf oeq, %min3A_69, %eq3A_72 : vector<8x1920xf32>
      %jit3A_74 = arith.constant 1920 : i32
      %broadcast_in_dim3A_75 = vector.broadcast %jit3A_74 : i32 to vector<8x1920xi32>
      %select_n3A_76 = arith.select %eq3A_73, %iota3A, %broadcast_in_dim3A_75 : vector<8x1920xi1>, vector<8x1920xi32>
      %reduce_min3A = arith.constant dense<2147483647> : vector<8xi32>
      %reduce_min3A_77 = vector.multi_reduction <minsi>, %select_n3A_76, %reduce_min3A [1] : vector<8x1920xi32> to vector<8xi32>
      %broadcast_in_dim3A_78 = vector.shape_cast %reduce_min3A_77 : vector<8xi32> to vector<8x1xi32>
      scf.yield %min3A_69, %broadcast_in_dim3A_78, %add3A_39 : vector<8x1920xf32>, vector<8x1xi32>, vector<8x1664xi32>
    }
    %scan3A_30 = arith.constant 1658 : i32
    %swap3A = arith.constant 0 : index
    %swap3A_31 = arith.constant 0 : index
    %swap3A_32 = vector.load %arg1[%swap3A, %swap3A_31] : memref<8x1664xi32, #tpu.memory_space<vmem>>, vector<8x1664xi32>
    tpu.vector_store %arg1[%swap3A, %swap3A_31], %scan3A_29#2 {strides = array<i32>} : memref<8x1664xi32, #tpu.memory_space<vmem>>, vector<8x1664xi32>,
    return
  }
}

module attributes {stable_mosaic.version = 14 : i64} {
  func.func @_knn_body(%arg0: i32, %arg1: i32, %arg2: memref<1x3x1920xf32, #tpu.memory_space<vmem>>, %arg3: memref<1x256x3xf32, #tpu.memory_space<vmem>>, %arg4: memref<1x256x40xi32, #tpu.memory_space<vmem>>) attributes {dimension_semantics = [#tpu.dimension_semantics<arbitrary>, #tpu.dimension_semantics<arbitrary>], iteration_bounds = array<i64: 4, 7>, scalar_prefetch = 0 : i64, scratch_operands = 0 : i64, tpu.core_type = #tpu.core_type<tc>, window_params = [{transform_indices = @transform_0, window_bounds = array<i64: 1, 3, 1920>}, {transform_indices = @transform_1, window_bounds = array<i64: 1, 256, 3>}, {transform_indices = @transform_2, window_bounds = array<i64: 1, 256, 40>}]} {
    %get3A = arith.constant 0 : index
    %get3A_0 = arith.constant 0 : index
    %get3A_1 = arith.constant 0 : index
    %get3A_2 = vector.load %arg2[%get3A, %get3A_0, %get3A_1] : memref<1x3x1920xf32, #tpu.memory_space<vmem>>, vector<1x3x1920xf32>
    %get3A_3 = vector.shape_cast %get3A_2 : vector<1x3x1920xf32> to vector<3x1920xf32>
    %slice3A = vector.extract_strided_slice %get3A_3 {offsets = [0, 0], sizes = [1, 1920], strides = [1, 1]} : vector<3x1920xf32> to vector<1x1920xf32>
    %slice3A_4 = vector.extract_strided_slice %get3A_3 {offsets = [1, 0], sizes = [1, 1920], strides = [1, 1]} : vector<3x1920xf32> to vector<1x1920xf32>
    %slice3A_5 = vector.extract_strided_slice %get3A_3 {offsets = [2, 0], sizes = [1, 1920], strides = [1, 1]} : vector<3x1920xf32> to vector<1x1920xf32>
    %get3A_6 = arith.constant 0 : index
    %get3A_7 = arith.constant 0 : index
    %get3A_8 = arith.constant 0 : index
    %get3A_9 = vector.load %arg3[%get3A_6, %get3A_7, %get3A_8] : memref<1x256x3xf32, #tpu.memory_space<vmem>>, vector<1x256x3xf32>
    %get3A_10 = vector.shape_cast %get3A_9 : vector<1x256x3xf32> to vector<256x3xf32>
    %slice3A_11 = vector.extract_strided_slice %get3A_10 {offsets = [0, 0], sizes = [256, 1], strides = [1, 1]} : vector<256x3xf32> to vector<256x1xf32>
    %slice3A_12 = vector.extract_strided_slice %get3A_10 {offsets = [0, 1], sizes = [256, 1], strides = [1, 1]} : vector<256x3xf32> to vector<256x1xf32>
    %slice3A_13 = vector.extract_strided_slice %get3A_10 {offsets = [0, 2], sizes = [256, 1], strides = [1, 1]} : vector<256x3xf32> to vector<256x1xf32>
    %mul3A = arith.mulf %slice3A, %slice3A : vector<1x1920xf32>
    %mul3A_14 = arith.mulf %slice3A_4, %slice3A_4 : vector<1x1920xf32>
    %add3A = arith.addf %mul3A, %mul3A_14 : vector<1x1920xf32>
    %mul3A_15 = arith.mulf %slice3A_5, %slice3A_5 : vector<1x1920xf32>
    %add3A_16 = arith.addf %add3A, %mul3A_15 : vector<1x1920xf32>
    %mul3A_17 = arith.mulf %slice3A_11, %slice3A_11 : vector<256x1xf32>
    %mul3A_18 = arith.mulf %slice3A_12, %slice3A_12 : vector<256x1xf32>
    %add3A_19 = arith.addf %mul3A_17, %mul3A_18 : vector<256x1xf32>
    %mul3A_20 = arith.mulf %slice3A_13, %slice3A_13 : vector<256x1xf32>
    %add3A_21 = arith.addf %add3A_19, %mul3A_20 : vector<256x1xf32>
    %dot_general3A = arith.constant dense<0.000000e+00> : vector<256x1920xf32>
    %dot_general3A_22 = tpu.matmul %get3A_10, %get3A_3, %dot_general3A {dimension_numbers = #tpu.dot_dimension_numbers<[1], [0], [0], [1], [0, 0, 1, 1], [], []>, transpose_lhs_hint = false} : vector<256x3xf32>, vector<3x1920xf32>, vector<256x1920xf32> -> vector<256x1920xf32>
    %add3A_23 = vector.broadcast %add3A_21 : vector<256x1xf32> to vector<256x1920xf32>
    %add3A_24 = vector.broadcast %add3A_16 : vector<1x1920xf32> to vector<256x1920xf32>
    %add3A_25 = arith.addf %add3A_23, %add3A_24 : vector<256x1920xf32>
    %mul3A_26 = arith.constant 2.000000e+00 : f32
    %mul3A_27 = vector.broadcast %mul3A_26 : f32 to vector<256x1920xf32>
    %mul3A_28 = arith.mulf %mul3A_27, %dot_general3A_22 : vector<256x1920xf32>
    %sub3A = arith.subf %add3A_25, %mul3A_28 : vector<256x1920xf32>
    %iota3A = tpu.iota {dimensions = array<i32: 1>} : vector<256x1920xi32>
    %lt3A = arith.constant 1843 : i32
    %lt3A_29 = vector.broadcast %lt3A : i32 to vector<256x1920xi32>
    %lt3A_30 = arith.cmpi slt, %iota3A, %lt3A_29 : vector<256x1920xi32>
    %jit3A = arith.constant 3.000000e+38 : f32
    %broadcast_in_dim3A = vector.broadcast %jit3A : f32 to vector<256x1920xf32>
    %select_n3A = arith.select %lt3A_30, %sub3A, %broadcast_in_dim3A : vector<256x1920xi1>, vector<256x1920xf32>
    %iota3A_31 = tpu.iota {dimensions = array<i32: 1>} : vector<256x40xi32>
    %broadcast_in_dim3A_32 = arith.constant 0 : i32
    %broadcast_in_dim3A_33 = vector.broadcast %broadcast_in_dim3A_32 : i32 to vector<256x40xi32>
    %scan3A = arith.constant 0 : i32
    %scan3A_34 = arith.constant 40 : i32
    %scan3A_35 = arith.addi %scan3A, %scan3A_34 : i32
    %scan3A_36 = arith.constant 1 : i32
    %scan3A_37:2 = scf.for %scan3A_44 = %scan3A to %scan3A_35 step %scan3A_36 iter_args(%scan3A_45 = %select_n3A, %scan3A_46 = %broadcast_in_dim3A_33) -> (vector<256x1920xf32>, vector<256x40xi32>)  : i32 {
      %reduce_min3A = arith.constant dense<0x7F800000> : vector<256xf32>
      %reduce_min3A_47 = vector.multi_reduction <minimumf>, %scan3A_45, %reduce_min3A [1] : vector<256x1920xf32> to vector<256xf32>
      %broadcast_in_dim3A_48 = vector.shape_cast %reduce_min3A_47 : vector<256xf32> to vector<256x1xf32>
      %eq3A = vector.broadcast %broadcast_in_dim3A_48 : vector<256x1xf32> to vector<256x1920xf32>
      %eq3A_49 = arith.cmpf oeq, %scan3A_45, %eq3A : vector<256x1920xf32>
      %jit3A_50 = arith.constant 1920 : i32
      %broadcast_in_dim3A_51 = vector.broadcast %jit3A_50 : i32 to vector<256x1920xi32>
      %select_n3A_52 = arith.select %eq3A_49, %iota3A, %broadcast_in_dim3A_51 : vector<256x1920xi1>, vector<256x1920xi32>
      %reduce_min3A_53 = arith.constant dense<2147483647> : vector<256xi32>
      %reduce_min3A_54 = vector.multi_reduction <minsi>, %select_n3A_52, %reduce_min3A_53 [1] : vector<256x1920xi32> to vector<256xi32>
      %broadcast_in_dim3A_55 = vector.shape_cast %reduce_min3A_54 : vector<256xi32> to vector<256x1xi32>
      %eq3A_56 = vector.broadcast %scan3A_44 : i32 to vector<256x40xi32>
      %eq3A_57 = arith.cmpi eq, %iota3A_31, %eq3A_56 : vector<256x40xi32>
      %convert_element_type3A = arith.extui %eq3A_57 : vector<256x40xi1> to vector<256x40xi32>
      %mul3A_58 = vector.broadcast %broadcast_in_dim3A_55 : vector<256x1xi32> to vector<256x40xi32>
      %mul3A_59 = arith.muli %convert_element_type3A, %mul3A_58 : vector<256x40xi32>
      %add3A_60 = arith.addi %scan3A_46, %mul3A_59 : vector<256x40xi32>
      %eq3A_61 = vector.broadcast %broadcast_in_dim3A_55 : vector<256x1xi32> to vector<256x1920xi32>
      %eq3A_62 = arith.cmpi eq, %iota3A, %eq3A_61 : vector<256x1920xi32>
      %jit3A_63 = arith.constant 3.000000e+38 : f32
      %broadcast_in_dim3A_64 = vector.broadcast %jit3A_63 : f32 to vector<256x1920xf32>
      %select_n3A_65 = arith.select %eq3A_62, %broadcast_in_dim3A_64, %scan3A_45 : vector<256x1920xi1>, vector<256x1920xf32>
      scf.yield %select_n3A_65, %add3A_60 : vector<256x1920xf32>, vector<256x40xi32>
    }
    %scan3A_38 = arith.constant 40 : i32
    %swap3A = arith.constant 0 : index
    %swap3A_39 = arith.constant 0 : index
    %swap3A_40 = arith.constant 0 : index
    %swap3A_41 = vector.load %arg4[%swap3A, %swap3A_39, %swap3A_40] : memref<1x256x40xi32, #tpu.memory_space<vmem>>, vector<1x256x40xi32>
    %swap3A_42 = vector.shape_cast %swap3A_41 : vector<1x256x40xi32> to vector<256x40xi32>
    %swap3A_43 = vector.shape_cast %scan3A_37#1 : vector<256x40xi32> to vector<1x256x40xi32>
    tpu.vector_store %arg4[%swap3A, %swap3A_39, %swap3A_40], %swap3A_43 {strides = array<i32>} : memref<1x256x40xi32, #tpu.memory_space<vmem>>, vector<1x256x40xi32>,
    return
  }
  func.func @transform_0(%arg0: i32, %arg1: i32) -> (i32, i32, i32) {
    %c0_i32 = arith.constant 0 : i32
    %c0_i32_0 = arith.constant 0 : i32
    %c0_i32_1 = arith.constant 0 : i32
    return %arg0, %c0_i32, %c0_i32_0 : i32, i32, i32
  }
  func.func @transform_1(%arg0: i32, %arg1: i32) -> (i32, i32, i32) {
    %c0_i32 = arith.constant 0 : i32
    %c0_i32_0 = arith.constant 0 : i32
    return %arg0, %arg1, %c0_i32 : i32, i32, i32
  }
  func.func @transform_2(%arg0: i32, %arg1: i32) -> (i32, i32, i32) {
    %c0_i32 = arith.constant 0 : i32
    %c0_i32_0 = arith.constant 0 : i32
    return %arg0, %arg1, %c0_i32 : i32, i32, i32
  }
}

module attributes {stable_mosaic.version = 14 : i64} {
  func.func @_knn_body(%arg0: i32, %arg1: i32, %arg2: memref<1x3x1664xf32, #tpu.memory_space<vmem>>, %arg3: memref<1x256x3xf32, #tpu.memory_space<vmem>>, %arg4: memref<1x256x30xi32, #tpu.memory_space<vmem>>) attributes {dimension_semantics = [#tpu.dimension_semantics<arbitrary>, #tpu.dimension_semantics<arbitrary>], iteration_bounds = array<i64: 4, 6>, scalar_prefetch = 0 : i64, scratch_operands = 0 : i64, tpu.core_type = #tpu.core_type<tc>, window_params = [{transform_indices = @transform_0, window_bounds = array<i64: 1, 3, 1664>}, {transform_indices = @transform_1, window_bounds = array<i64: 1, 256, 3>}, {transform_indices = @transform_2, window_bounds = array<i64: 1, 256, 30>}]} {
    %get3A = arith.constant 0 : index
    %get3A_0 = arith.constant 0 : index
    %get3A_1 = arith.constant 0 : index
    %get3A_2 = vector.load %arg2[%get3A, %get3A_0, %get3A_1] : memref<1x3x1664xf32, #tpu.memory_space<vmem>>, vector<1x3x1664xf32>
    %get3A_3 = vector.shape_cast %get3A_2 : vector<1x3x1664xf32> to vector<3x1664xf32>
    %slice3A = vector.extract_strided_slice %get3A_3 {offsets = [0, 0], sizes = [1, 1664], strides = [1, 1]} : vector<3x1664xf32> to vector<1x1664xf32>
    %slice3A_4 = vector.extract_strided_slice %get3A_3 {offsets = [1, 0], sizes = [1, 1664], strides = [1, 1]} : vector<3x1664xf32> to vector<1x1664xf32>
    %slice3A_5 = vector.extract_strided_slice %get3A_3 {offsets = [2, 0], sizes = [1, 1664], strides = [1, 1]} : vector<3x1664xf32> to vector<1x1664xf32>
    %get3A_6 = arith.constant 0 : index
    %get3A_7 = arith.constant 0 : index
    %get3A_8 = arith.constant 0 : index
    %get3A_9 = vector.load %arg3[%get3A_6, %get3A_7, %get3A_8] : memref<1x256x3xf32, #tpu.memory_space<vmem>>, vector<1x256x3xf32>
    %get3A_10 = vector.shape_cast %get3A_9 : vector<1x256x3xf32> to vector<256x3xf32>
    %slice3A_11 = vector.extract_strided_slice %get3A_10 {offsets = [0, 0], sizes = [256, 1], strides = [1, 1]} : vector<256x3xf32> to vector<256x1xf32>
    %slice3A_12 = vector.extract_strided_slice %get3A_10 {offsets = [0, 1], sizes = [256, 1], strides = [1, 1]} : vector<256x3xf32> to vector<256x1xf32>
    %slice3A_13 = vector.extract_strided_slice %get3A_10 {offsets = [0, 2], sizes = [256, 1], strides = [1, 1]} : vector<256x3xf32> to vector<256x1xf32>
    %mul3A = arith.mulf %slice3A, %slice3A : vector<1x1664xf32>
    %mul3A_14 = arith.mulf %slice3A_4, %slice3A_4 : vector<1x1664xf32>
    %add3A = arith.addf %mul3A, %mul3A_14 : vector<1x1664xf32>
    %mul3A_15 = arith.mulf %slice3A_5, %slice3A_5 : vector<1x1664xf32>
    %add3A_16 = arith.addf %add3A, %mul3A_15 : vector<1x1664xf32>
    %mul3A_17 = arith.mulf %slice3A_11, %slice3A_11 : vector<256x1xf32>
    %mul3A_18 = arith.mulf %slice3A_12, %slice3A_12 : vector<256x1xf32>
    %add3A_19 = arith.addf %mul3A_17, %mul3A_18 : vector<256x1xf32>
    %mul3A_20 = arith.mulf %slice3A_13, %slice3A_13 : vector<256x1xf32>
    %add3A_21 = arith.addf %add3A_19, %mul3A_20 : vector<256x1xf32>
    %dot_general3A = arith.constant dense<0.000000e+00> : vector<256x1664xf32>
    %dot_general3A_22 = tpu.matmul %get3A_10, %get3A_3, %dot_general3A {dimension_numbers = #tpu.dot_dimension_numbers<[1], [0], [0], [1], [0, 0, 1, 1], [], []>, transpose_lhs_hint = false} : vector<256x3xf32>, vector<3x1664xf32>, vector<256x1664xf32> -> vector<256x1664xf32>
    %add3A_23 = vector.broadcast %add3A_21 : vector<256x1xf32> to vector<256x1664xf32>
    %add3A_24 = vector.broadcast %add3A_16 : vector<1x1664xf32> to vector<256x1664xf32>
    %add3A_25 = arith.addf %add3A_23, %add3A_24 : vector<256x1664xf32>
    %mul3A_26 = arith.constant 2.000000e+00 : f32
    %mul3A_27 = vector.broadcast %mul3A_26 : f32 to vector<256x1664xf32>
    %mul3A_28 = arith.mulf %mul3A_27, %dot_general3A_22 : vector<256x1664xf32>
    %sub3A = arith.subf %add3A_25, %mul3A_28 : vector<256x1664xf32>
    %iota3A = tpu.iota {dimensions = array<i32: 1>} : vector<256x1664xi32>
    %lt3A = arith.constant 1658 : i32
    %lt3A_29 = vector.broadcast %lt3A : i32 to vector<256x1664xi32>
    %lt3A_30 = arith.cmpi slt, %iota3A, %lt3A_29 : vector<256x1664xi32>
    %jit3A = arith.constant 3.000000e+38 : f32
    %broadcast_in_dim3A = vector.broadcast %jit3A : f32 to vector<256x1664xf32>
    %select_n3A = arith.select %lt3A_30, %sub3A, %broadcast_in_dim3A : vector<256x1664xi1>, vector<256x1664xf32>
    %iota3A_31 = tpu.iota {dimensions = array<i32: 1>} : vector<256x30xi32>
    %broadcast_in_dim3A_32 = arith.constant 0 : i32
    %broadcast_in_dim3A_33 = vector.broadcast %broadcast_in_dim3A_32 : i32 to vector<256x30xi32>
    %scan3A = arith.constant 0 : i32
    %scan3A_34 = arith.constant 30 : i32
    %scan3A_35 = arith.addi %scan3A, %scan3A_34 : i32
    %scan3A_36 = arith.constant 1 : i32
    %scan3A_37:2 = scf.for %scan3A_44 = %scan3A to %scan3A_35 step %scan3A_36 iter_args(%scan3A_45 = %select_n3A, %scan3A_46 = %broadcast_in_dim3A_33) -> (vector<256x1664xf32>, vector<256x30xi32>)  : i32 {
      %reduce_min3A = arith.constant dense<0x7F800000> : vector<256xf32>
      %reduce_min3A_47 = vector.multi_reduction <minimumf>, %scan3A_45, %reduce_min3A [1] : vector<256x1664xf32> to vector<256xf32>
      %broadcast_in_dim3A_48 = vector.shape_cast %reduce_min3A_47 : vector<256xf32> to vector<256x1xf32>
      %eq3A = vector.broadcast %broadcast_in_dim3A_48 : vector<256x1xf32> to vector<256x1664xf32>
      %eq3A_49 = arith.cmpf oeq, %scan3A_45, %eq3A : vector<256x1664xf32>
      %jit3A_50 = arith.constant 1664 : i32
      %broadcast_in_dim3A_51 = vector.broadcast %jit3A_50 : i32 to vector<256x1664xi32>
      %select_n3A_52 = arith.select %eq3A_49, %iota3A, %broadcast_in_dim3A_51 : vector<256x1664xi1>, vector<256x1664xi32>
      %reduce_min3A_53 = arith.constant dense<2147483647> : vector<256xi32>
      %reduce_min3A_54 = vector.multi_reduction <minsi>, %select_n3A_52, %reduce_min3A_53 [1] : vector<256x1664xi32> to vector<256xi32>
      %broadcast_in_dim3A_55 = vector.shape_cast %reduce_min3A_54 : vector<256xi32> to vector<256x1xi32>
      %eq3A_56 = vector.broadcast %scan3A_44 : i32 to vector<256x30xi32>
      %eq3A_57 = arith.cmpi eq, %iota3A_31, %eq3A_56 : vector<256x30xi32>
      %convert_element_type3A = arith.extui %eq3A_57 : vector<256x30xi1> to vector<256x30xi32>
      %mul3A_58 = vector.broadcast %broadcast_in_dim3A_55 : vector<256x1xi32> to vector<256x30xi32>
      %mul3A_59 = arith.muli %convert_element_type3A, %mul3A_58 : vector<256x30xi32>
      %add3A_60 = arith.addi %scan3A_46, %mul3A_59 : vector<256x30xi32>
      %eq3A_61 = vector.broadcast %broadcast_in_dim3A_55 : vector<256x1xi32> to vector<256x1664xi32>
      %eq3A_62 = arith.cmpi eq, %iota3A, %eq3A_61 : vector<256x1664xi32>
      %jit3A_63 = arith.constant 3.000000e+38 : f32
      %broadcast_in_dim3A_64 = vector.broadcast %jit3A_63 : f32 to vector<256x1664xf32>
      %select_n3A_65 = arith.select %eq3A_62, %broadcast_in_dim3A_64, %scan3A_45 : vector<256x1664xi1>, vector<256x1664xf32>
      scf.yield %select_n3A_65, %add3A_60 : vector<256x1664xf32>, vector<256x30xi32>
    }
    %scan3A_38 = arith.constant 30 : i32
    %swap3A = arith.constant 0 : index
    %swap3A_39 = arith.constant 0 : index
    %swap3A_40 = arith.constant 0 : index
    %swap3A_41 = vector.load %arg4[%swap3A, %swap3A_39, %swap3A_40] : memref<1x256x30xi32, #tpu.memory_space<vmem>>, vector<1x256x30xi32>
    %swap3A_42 = vector.shape_cast %swap3A_41 : vector<1x256x30xi32> to vector<256x30xi32>
    %swap3A_43 = vector.shape_cast %scan3A_37#1 : vector<256x30xi32> to vector<1x256x30xi32>
    tpu.vector_store %arg4[%swap3A, %swap3A_39, %swap3A_40], %swap3A_43 {strides = array<i32>} : memref<1x256x30xi32, #tpu.memory_space<vmem>>, vector<1x256x30xi32>,
    return
  }
  func.func @transform_0(%arg0: i32, %arg1: i32) -> (i32, i32, i32) {
    %c0_i32 = arith.constant 0 : i32
    %c0_i32_0 = arith.constant 0 : i32
    %c0_i32_1 = arith.constant 0 : i32
    return %arg0, %c0_i32, %c0_i32_0 : i32, i32, i32
  }
  func.func @transform_1(%arg0: i32, %arg1: i32) -> (i32, i32, i32) {
    %c0_i32 = arith.constant 0 : i32
    %c0_i32_0 = arith.constant 0 : i32
    return %arg0, %arg1, %c0_i32 : i32, i32, i32
  }
  func.func @transform_2(%arg0: i32, %arg1: i32) -> (i32, i32, i32) {
    %c0_i32 = arith.constant 0 : i32
    %c0_i32_0 = arith.constant 0 : i32
    return %arg0, %arg1, %c0_i32 : i32, i32, i32
  }
}

module attributes {stable_mosaic.version = 14 : i64} {
  func.func @_fps_body(%arg0: memref<3x8x1664xf32, #tpu.memory_space<vmem>>, %arg1: memref<8x1536xi32, #tpu.memory_space<vmem>>) attributes {dimension_semantics = [], scalar_prefetch = 0 : i64, scratch_operands = 0 : i64, tpu.core_type = #tpu.core_type<tc>} {
    %get3A = arith.constant 0 : index
    %get3A_0 = arith.constant 0 : index
    %get3A_1 = arith.constant 0 : index
    %get3A_2 = vector.load %arg0[%get3A, %get3A_0, %get3A_1] : memref<3x8x1664xf32, #tpu.memory_space<vmem>>, vector<1x8x1664xf32>
    %get3A_3 = vector.shape_cast %get3A_2 : vector<1x8x1664xf32> to vector<8x1664xf32>
    %get3A_4 = arith.constant 1 : index
    %get3A_5 = arith.constant 0 : index
    %get3A_6 = arith.constant 0 : index
    %get3A_7 = vector.load %arg0[%get3A_4, %get3A_5, %get3A_6] : memref<3x8x1664xf32, #tpu.memory_space<vmem>>, vector<1x8x1664xf32>
    %get3A_8 = vector.shape_cast %get3A_7 : vector<1x8x1664xf32> to vector<8x1664xf32>
    %get3A_9 = arith.constant 2 : index
    %get3A_10 = arith.constant 0 : index
    %get3A_11 = arith.constant 0 : index
    %get3A_12 = vector.load %arg0[%get3A_9, %get3A_10, %get3A_11] : memref<3x8x1664xf32, #tpu.memory_space<vmem>>, vector<1x8x1664xf32>
    %get3A_13 = vector.shape_cast %get3A_12 : vector<1x8x1664xf32> to vector<8x1664xf32>
    %iota3A = tpu.iota {dimensions = array<i32: 1>} : vector<8x1664xi32>
    %iota3A_14 = tpu.iota {dimensions = array<i32: 1>} : vector<8x1536xi32>
    %iota3A_15 = tpu.iota {dimensions = array<i32: 0>} : vector<8x1536xi32>
    %min3A = arith.constant 0 : i32
    %min3A_16 = vector.broadcast %min3A : i32 to vector<8x1536xi32>
    %min3A_17 = arith.minsi %iota3A_15, %min3A_16 : vector<8x1536xi32>
    %add3A = arith.addi %iota3A_14, %min3A_17 : vector<8x1536xi32>
    %lt3A = arith.constant 1658 : i32
    %lt3A_18 = vector.broadcast %lt3A : i32 to vector<8x1664xi32>
    %lt3A_19 = arith.cmpi slt, %iota3A, %lt3A_18 : vector<8x1664xi32>
    %jit3A = arith.constant 1.000000e+10 : f32
    %jit3A_20 = arith.constant -1.000000e+00 : f32
    %broadcast_in_dim3A = vector.broadcast %jit3A : f32 to vector<8x1664xf32>
    %broadcast_in_dim3A_21 = vector.broadcast %jit3A_20 : f32 to vector<8x1664xf32>
    %select_n3A = arith.select %lt3A_19, %broadcast_in_dim3A, %broadcast_in_dim3A_21 : vector<8x1664xi1>, vector<8x1664xf32>
    %broadcast_in_dim3A_22 = arith.constant 0 : i32
    %broadcast_in_dim3A_23 = vector.broadcast %broadcast_in_dim3A_22 : i32 to vector<8x1xi32>
    %broadcast_in_dim3A_24 = arith.constant 0 : i32
    %broadcast_in_dim3A_25 = vector.broadcast %broadcast_in_dim3A_24 : i32 to vector<8x1536xi32>
    %scan3A = arith.constant 0 : i32
    %scan3A_26 = arith.constant 1492 : i32
    %scan3A_27 = arith.addi %scan3A, %scan3A_26 : i32
    %scan3A_28 = arith.constant 1 : i32
    %scan3A_29:3 = scf.for %scan3A_33 = %scan3A to %scan3A_27 step %scan3A_28 iter_args(%scan3A_34 = %select_n3A, %scan3A_35 = %broadcast_in_dim3A_23, %scan3A_36 = %broadcast_in_dim3A_25) -> (vector<8x1664xf32>, vector<8x1xi32>, vector<8x1536xi32>)  : i32 {
      %eq3A = vector.broadcast %scan3A_33 : i32 to vector<8x1536xi32>
      %eq3A_37 = arith.cmpi eq, %add3A, %eq3A : vector<8x1536xi32>
      %convert_element_type3A = arith.extui %eq3A_37 : vector<8x1536xi1> to vector<8x1536xi32>
      %mul3A = vector.broadcast %scan3A_35 : vector<8x1xi32> to vector<8x1536xi32>
      %mul3A_38 = arith.muli %convert_element_type3A, %mul3A : vector<8x1536xi32>
      %add3A_39 = arith.addi %scan3A_36, %mul3A_38 : vector<8x1536xi32>
      %eq3A_40 = vector.broadcast %scan3A_35 : vector<8x1xi32> to vector<8x1664xi32>
      %eq3A_41 = arith.cmpi eq, %iota3A, %eq3A_40 : vector<8x1664xi32>
      %jit3A_42 = arith.constant 0.000000e+00 : f32
      %broadcast_in_dim3A_43 = vector.broadcast %jit3A_42 : f32 to vector<8x1664xf32>
      %select_n3A_44 = arith.select %eq3A_41, %get3A_3, %broadcast_in_dim3A_43 : vector<8x1664xi1>, vector<8x1664xf32>
      %reduce_sum3A = arith.constant dense<0.000000e+00> : vector<8xf32>
      %reduce_sum3A_45 = vector.multi_reduction <add>, %select_n3A_44, %reduce_sum3A [1] : vector<8x1664xf32> to vector<8xf32>
      %broadcast_in_dim3A_46 = vector.shape_cast %reduce_sum3A_45 : vector<8xf32> to vector<8x1xf32>
      %jit3A_47 = arith.constant 0.000000e+00 : f32
      %broadcast_in_dim3A_48 = vector.broadcast %jit3A_47 : f32 to vector<8x1664xf32>
      %select_n3A_49 = arith.select %eq3A_41, %get3A_8, %broadcast_in_dim3A_48 : vector<8x1664xi1>, vector<8x1664xf32>
      %reduce_sum3A_50 = arith.constant dense<0.000000e+00> : vector<8xf32>
      %reduce_sum3A_51 = vector.multi_reduction <add>, %select_n3A_49, %reduce_sum3A_50 [1] : vector<8x1664xf32> to vector<8xf32>
      %broadcast_in_dim3A_52 = vector.shape_cast %reduce_sum3A_51 : vector<8xf32> to vector<8x1xf32>
      %jit3A_53 = arith.constant 0.000000e+00 : f32
      %broadcast_in_dim3A_54 = vector.broadcast %jit3A_53 : f32 to vector<8x1664xf32>
      %select_n3A_55 = arith.select %eq3A_41, %get3A_13, %broadcast_in_dim3A_54 : vector<8x1664xi1>, vector<8x1664xf32>
      %reduce_sum3A_56 = arith.constant dense<0.000000e+00> : vector<8xf32>
      %reduce_sum3A_57 = vector.multi_reduction <add>, %select_n3A_55, %reduce_sum3A_56 [1] : vector<8x1664xf32> to vector<8xf32>
      %broadcast_in_dim3A_58 = vector.shape_cast %reduce_sum3A_57 : vector<8xf32> to vector<8x1xf32>
      %sub3A = vector.broadcast %broadcast_in_dim3A_46 : vector<8x1xf32> to vector<8x1664xf32>
      %sub3A_59 = arith.subf %get3A_3, %sub3A : vector<8x1664xf32>
      %sub3A_60 = vector.broadcast %broadcast_in_dim3A_52 : vector<8x1xf32> to vector<8x1664xf32>
      %sub3A_61 = arith.subf %get3A_8, %sub3A_60 : vector<8x1664xf32>
      %sub3A_62 = vector.broadcast %broadcast_in_dim3A_58 : vector<8x1xf32> to vector<8x1664xf32>
      %sub3A_63 = arith.subf %get3A_13, %sub3A_62 : vector<8x1664xf32>
      %mul3A_64 = arith.mulf %sub3A_59, %sub3A_59 : vector<8x1664xf32>
      %mul3A_65 = arith.mulf %sub3A_61, %sub3A_61 : vector<8x1664xf32>
      %add3A_66 = arith.addf %mul3A_64, %mul3A_65 : vector<8x1664xf32>
      %mul3A_67 = arith.mulf %sub3A_63, %sub3A_63 : vector<8x1664xf32>
      %add3A_68 = arith.addf %add3A_66, %mul3A_67 : vector<8x1664xf32>
      %min3A_69 = arith.minimumf %scan3A_34, %add3A_68 : vector<8x1664xf32>
      %reduce_max3A = arith.constant dense<0xFF800000> : vector<8xf32>
      %reduce_max3A_70 = vector.multi_reduction <maximumf>, %min3A_69, %reduce_max3A [1] : vector<8x1664xf32> to vector<8xf32>
      %broadcast_in_dim3A_71 = vector.shape_cast %reduce_max3A_70 : vector<8xf32> to vector<8x1xf32>
      %eq3A_72 = vector.broadcast %broadcast_in_dim3A_71 : vector<8x1xf32> to vector<8x1664xf32>
      %eq3A_73 = arith.cmpf oeq, %min3A_69, %eq3A_72 : vector<8x1664xf32>
      %jit3A_74 = arith.constant 1664 : i32
      %broadcast_in_dim3A_75 = vector.broadcast %jit3A_74 : i32 to vector<8x1664xi32>
      %select_n3A_76 = arith.select %eq3A_73, %iota3A, %broadcast_in_dim3A_75 : vector<8x1664xi1>, vector<8x1664xi32>
      %reduce_min3A = arith.constant dense<2147483647> : vector<8xi32>
      %reduce_min3A_77 = vector.multi_reduction <minsi>, %select_n3A_76, %reduce_min3A [1] : vector<8x1664xi32> to vector<8xi32>
      %broadcast_in_dim3A_78 = vector.shape_cast %reduce_min3A_77 : vector<8xi32> to vector<8x1xi32>
      scf.yield %min3A_69, %broadcast_in_dim3A_78, %add3A_39 : vector<8x1664xf32>, vector<8x1xi32>, vector<8x1536xi32>
    }
    %scan3A_30 = arith.constant 1492 : i32
    %swap3A = arith.constant 0 : index
    %swap3A_31 = arith.constant 0 : index
    %swap3A_32 = vector.load %arg1[%swap3A, %swap3A_31] : memref<8x1536xi32, #tpu.memory_space<vmem>>, vector<8x1536xi32>
    tpu.vector_store %arg1[%swap3A, %swap3A_31], %scan3A_29#2 {strides = array<i32>} : memref<8x1536xi32, #tpu.memory_space<vmem>>, vector<8x1536xi32>,
    return
  }
}

</mosaic_0001>

<sc_bundles>
// kernel: gather_offload_async_start.1
scs
__scs_entry_jumppad:
0x0: {  	(pc) =	sbr.rel $0x88, $3  }
0x1: {  	(tag) =	ssettag $0x0;
	lr =	simm.s32 $0x1  }
0x2: {  	[smem:$0x3F58] =	sst lr;
	_ =	strace $0xD0000000  }
0x3: {  	_ = 	snop  }
0x4: {  	_ = 	snop  }
0x5: {  	_ = 	snop  }
0x6: {  	_ = 	snop  }
0x7: {  	_ = 	snop  }
__scs_overlays_trampoline_lowered:
0x8: {  	[smem:$0x3F67] =	sst s0  }
0x9: {  	[smem:$0x3F68] =	sst s1  }
0xa: {  	[smem:$0x3F69] =	sst s2  }
0xb: {  	[smem:$0x3F6A] =	sst s3  }
0xc: {  	[smem:$0x3F6B] =	sst s4  }
0xd: {  	[smem:$0x3F6C] =	sst s5  }
0xe: {  	[smem:$0x3F6D] =	sst s6  }
0xf: {  	[smem:$0x3F6E] =	sst s7  }
0x10: {  	[smem:$0x3F6F] =	sst s8  }
0x11: {  	[smem:$0x3F70] =	sst s9;
	s0 =	simm.s32 @!p0 $0x0  }
0x12: {  	s1 =	sld [smem:$0x3F56];
	s0 =	simm.s32 @p0 $0x1  }
0x13: {  	[smem:$0x3F71] =	sst s0;
	s0 =	simm.s32 @!p1 $0x0  }
0x14: {  	s2 =	sld [smem:$0x3F55];
	s0 =	simm.s32 @p1 $0x1  }
0x15: {  	[smem:$0x3F72] =	sst s0;
	s0 =	simm.s32 @!p2 $0x0  }
0x16: {  	s3 =	sld [smem:$0x3FDB];
	s0 =	simm.s32 @p2 $0x1  }
0x17: {  	s4 =	simm.s32 $0x1BF5;
	[smem:$0x3F74] =	sst s0  }
0x18: {  	s0 =	sld [smem:$0x3F57];
	_ =	swait.ge [sflag:s4], $0x0  }
0x19: {  	s7 =	sld [smem:$0x3F58]  }
0x1a: {  	s8 =	sadd.s32 $0xFFFFE003, lr  }
0x1b: {  	s9 =	sadd.s32 $0xFFFFFEF7, lr;
	s5 =	simm.s32 $0xFFFFFFFF;
	p2 =	slt.u32 s8, $0xFFFFF086  }
0x1c: {  	p1 =	slt.u32 s9, $0xF7A;
	s5 =	simm.s32 @!p2 $0x0  }
0x1d: {  	s5 =	simm.s32 @p1 $0x1;
	p0 =	seq.s32 s7, s2  }
0x1e: {  	s7 =	smul.u32 @!p0 $0xF7A, s2;
	p2 =	seq.s32 @!p0 s5, $0x0  }
0x1f: {  	s9 =	smul.u32 $0xF7A, s1;
	s8 =	simm.s32 @!p0 $0x1BF5;
	p2 =	por !p2, p0  }
0x20: {  	[sflag:s8] =	ssyncset.s32 @!p0 $0xFFFFF086;
	s6 =	sadd.s32 @!p0 s3, s7;
	s7 =	simm.s32 @!p0 $0x108  }
0x21: {  	s3 =	sadd.s32 s3, s9;
	s6 =	sadd.s32 @!p0 $0x88, s6;
	s7 =	simm.s32 @p2 $0x1082  }
0x22: {  	[simem:s7], [sflag:s8] =	dma.local @!p0 [hbm:s6], $0xF7A  }
0x23: {  	s9 =	sor.u32 $0xD0000000, s2;
	s6 =	simm.s32 $0x108;
	_ =	swait.ge @!p0 [sflag:s8], $0x0  }
0x24: {  	s3 =	sadd.s32 $0x88, s3;
	s6 =	simm.s32 @!p1 $0x1082;
	[sflag:s4] =	ssyncset.s32 $0xFFFFF086  }
0x25: {  	[simem:s6], [sflag:s4] =	dma.local [hbm:s3], $0xF7A  }
0x26: {  	[smem:$0x3F58] =	sst s1;
	(tag) =	ssettag s2;
	_ =	strace s9  }
0x27: {  	s1 =	sld [smem:$0x3F68]  }
0x28: {  	s2 =	sld [smem:$0x3F69]  }
0x29: {  	s4 =	sld [smem:$0x3F6B]  }
0x2a: {  	p0 =	seq.s32 s5, $0x0;
	s5 =	sld [smem:$0x3F6C]  }
0x2b: {  	s6 =	sld [smem:$0x3F6D]  }
0x2c: {  	s7 =	sld [smem:$0x3F6E]  }
0x2d: {  	s3 =	simm.s32 $0x108;
	s8 =	sld [smem:$0x3F6F]  }
0x2e: {  	s3 =	simm.s32 @!p0 $0x1082;
	s9 =	sld [smem:$0x3F70]  }
0x2f: {  	lr =	sadd.s32 s0, s3;
	s0 =	sld [smem:$0x3F67]  }
0x30: {  	s3 =	sld [smem:$0x3F6A]  }
0x31: {  	[smem:$0x3F73] =	sst s10  }
0x32: {  	s10 =	sld [smem:$0x3F71];
	_ =	sdelay $0x3  }
0x33: {  	p0 =	seq.s32 s10, $0x1;
	s10 =	sld [smem:$0x3F73];
	_ =	sdelay $0x3  }
0x34: {  	[smem:$0x3F73] =	sst s10  }
0x35: {  	s10 =	sld [smem:$0x3F72];
	_ =	sdelay $0x3  }
0x36: {  	p1 =	seq.s32 s10, $0x1;
	s10 =	sld [smem:$0x3F73];
	_ =	sdelay $0x3  }
0x37: {  	[smem:$0x3F73] =	sst s10  }
0x38: {  	s10 =	sld [smem:$0x3F74]  }
0x39: {  	_ = 	snop;
	(pc) =	sbr.ind lr, $3  }
0x3a: {  	_ = 	snop  }
0x3b: {  	_ = 	snop  }
0x3c: {  	p2 =	seq.s32 s10, $0x1;
	s10 =	sld [smem:$0x3F73]  }
0x3d: {  	_ =	shalt  }
0x3e: {  	_ =	shalt  }
0x3f: {  	_ =	shalt  }
0x40: {  	_ =	shalt  }
0x41: {  	_ =	shalt  }
0x42: {  	_ =	shalt  }
0x43: {  	_ =	shalt  }
0x44: {  	_ =	shalt  }
0x45: {  	_ =	shalt  }
0x46: {  	_ =	shalt  }
0x47: {  	_ =	shalt  }
0x48: {  	_ =	shalt  }
0x49: {  	_ =	shalt  }
0x4a: {  	_ =	shalt  }
0x4b: {  	_ =	shalt  }
0x4c: {  	_ =	shalt  }
0x4d: {  	_ =	shalt  }
0x4e: {  	_ =	shalt  }
0x4f: {  	_ =	shalt  }
0x50: {  	_ =	shalt  }
0x51: {  	_ =	shalt  }
0x52: {  	_ =	shalt  }
0x53: {  	_ =	shalt  }
0x54: {  	_ =	shalt  }
0x55: {  	_ =	shalt  }
0x56: {  	_ =	shalt  }
0x57: {  	_ =	shalt  }
0x58: {  	_ =	shalt  }
0x59: {  	_ =	shalt  }
0x5a: {  	_ =	shalt  }
0x5b: {  	_ =	shalt  }
0x5c: {  	_ =	shalt  }
0x5d: {  	_ =	shalt  }
0x5e: {  	_ =	shalt  }
0x5f: {  	_ =	shalt  }
0x60: {  	_ =	shalt  }
0x61: {  	_ =	shalt  }
0x62: {  	_ =	shalt  }
0x63: {  	_ =	shalt  }
0x64: {  	_ =	shalt  }
0x65: {  	_ =	shalt  }
0x66: {  	_ =	shalt  }
0x67: {  	_ =	shalt  }
0x68: {  	_ =	shalt  }
0x69: {  	_ =	shalt  }
0x6a: {  	_ =	shalt  }
0x6b: {  	_ =	shalt  }
0x6c: {  	_ =	shalt  }
0x6d: {  	_ =	shalt  }
0x6e: {  	_ =	shalt  }
0x6f: {  	_ =	shalt  }
0x70: {  	_ =	shalt  }
0x71: {  	_ =	shalt  }
0x72: {  	_ =	shalt  }
0x73: {  	_ =	shalt  }
0x74: {  	_ =	shalt  }
0x75: {  	_ =	shalt  }
0x76: {  	_ =	shalt  }
0x77: {  	_ =	shalt  }
0x78: {  	_ =	shalt  }
0x79: {  	_ =	shalt  }
0x7a: {  	_ =	shalt  }
0x7b: {  	_ =	shalt  }
0x7c: {  	_ =	shalt  }
0x7d: {  	_ =	shalt  }
0x7e: {  	_ =	shalt  }
0x7f: {  	_ =	shalt  }
0x80: {  	_ =	shalt  }
0x81: {  	_ =	shalt  }
0x82: {  	_ =	shalt  }
0x83: {  	_ =	shalt  }
0x84: {  	_ =	shalt  }
0x85: {  	_ =	shalt  }
0x86: {  	_ =	shalt  }
0x87: {  	_ =	shalt  }
.Lfunc_end0:
.L_simem_size_0:
called_computation.4_lowered:
.L_overlay_start_0:
0x88: {  	s0 =	sld [smem:$0x3FD9]  }
0x89: {  	s1 =	sld [smem:$0x3FFE];
	_ =	sdelay $0x3  }
0x8a: {  	s0 =	sadd.s32 s1, s0  }
0x8b: {  	[smem:$0x3F7F] =	sst s0  }
0x8c: {  	_ = 	snop  }
0x8d: {  	(tm) =	ssettm $0x1  }
0x8e: {  	s15 =	sld [smem:$0x3FFB];
	_ =	sdelay $0x3  }
0x8f: {  	_ =	strace s15  }
0x90: {  	s0 =	sld [smem:$0x3FFC];
	_ =	sdelay $0x3  }
0x91: {  	_ =	strace s0  }
0x92: {  	s0 =	sld [smem:$0x3FFD];
	_ =	sdelay $0x3  }
0x93: {  	_ =	strace s0  }
0x94: {  	_ =	strace $0x8FFFFFFF  }
0x95: {  	s16 =	sld [smem:$0x3FDB];
	_ =	sdelay $0x1  }
0x96: {  	s17 =	simm.s32 $_scs_section_size  }
0x97: {  	s2 =	simm.s32 $_size__tile_overlayer_lowered;
	s3 =	simm.s32 $_tile_overlayer_lowered  }
0x98: {  	s20 =	simm.s32 $0x1BFF;
	s19 =	sshll.u32 s3, $0x1;
	s0 =	sadd.s32 s17, s16  }
0x99: {  	s4 =	simm.s32 $0x0;
	s18 =	sshll.u32 s2, $0x1;
	s2 =	sadd.s32 s19, s0  }
0x9a: {  	[timem:s4], [sflag:s20] =	dma.local [hbm:s2], s18  }
0x9b: {  	_ =	swait.ge [sflag:s20], s18  }
0x9c: {  	s1 =	ssub.s32 $0x0, s18;
	[sflag:s20] =	ssyncset.done $0x0  }
0x9d: {  	[sflag:s20] =	ssyncadd.s32 s1;
	_ =	sdelay $0x1  }
0x9e: {  	s21 =	simm.s32 $0x1B8B  }
0x9f: {  	_ =	swait.ge [sflag:s21], $0x1  }
0xa0: {  	[sflag:s21] =	ssyncset.done $0x0  }
0xa1: {  	s23 =	simm.s32 $0x1B8E;
	s22 =	sld [smem:$0x3FFE];
	[sflag:s21] =	ssyncadd.s32 $0xFFFFFFFF  }
0xa2: {  	s24 =	simm.s32 $execute0_lowered;
	[smem:$0x3FD2] =	sst s23  }
0xa3: {  	s2 =	sshll.u32 s24, $0x1;
	_ =	strace $0x80000049;
	[dreg:$0x1] =	wrdreg $0xFFFFFFFF  }
0xa4: {  	s25 =	simm.s32 $_size_execute0_lowered;
	s0 =	sadd.s32 s0, s2;
	[dreg:$0x0] =	wrdreg $0x0  }
0xa5: {  	s2 =	sshll.u32 s25, $0x1;
	[dreg:$0x2] =	wrdreg s0  }
0xa6: {  	[dreg:$0x3] =	wrdreg s2  }
0xa7: {  	[dreg:$0x4] =	wrdreg $0xC0  }
0xa8: {  	_ =	task [dreg:s4], $0x5FFFF  }
0xa9: {  	[dreg:$0x1] =	wrdreg $0xFFFFFFFF  }
0xaa: {  	[dreg:$0x0] =	wrdreg $0x60  }
0xab: {  	[dreg:$0x2] =	wrdreg s22  }
0xac: {  	[dreg:$0x3] =	wrdreg $0x9  }
0xad: {  	_ =	task.clear_ibuf [dreg:s4], $0x4FFFF;
	_ =	strace $0x90000049  }
0xae: {  	s26 =	simm.s32 $0x9;
	_ =	strace $0x8000004B  }
0xaf: {  	_ =	swait.ge [sflag:s26], $0x1  }
0xb0: {  	[sflag:s26] =	ssyncadd.s32 $0xFFFFFFFF  }
0xb1: {  	_ =	strace $0x9000004B  }
0xb2: {  	_ =	sfence  }
0xb3: {  	s28 =	sld [smem:$0x0];
	_ =	sdelay $0x1  }
0xb4: {  	s29 =	srdreg.scid  }
0xb5: {  	s30 =	sshll.u32 s29, $0xD;
	s31 =	sshrl.u32 s29, $0x2  }
0xb6: {  	s1 =	sand.u32 $0x1, s29;
	s2 =	sand.u32 $0x4000, s30;
	s0 =	sadd.s32 s31, s28  }
0xb7: {  	s1 =	sor.u32 s2, s1;
	s0 =	sshll.u32 s0, $0x11  }
0xb8: {  	s0 =	sor.u32 s0, s1  }
0xb9: {  	s0 =	sadd.s32 $0x8F2B, s0  }
0xba: {  	[sflag:s0] =	ssyncadd.remote.s32 $0x1  }
0xbb: {  	_ =	sfence.sel $0xFFFF  }
0xbc: {  	[dreg:$0x0] =	wrdreg $0xFFFFFFFF;
	(pc) =	sbr.abs _section_cstart, $3  }
0xbd: {  	[dreg:$0x1] =	wrdreg $0xFFFFFFFF  }
0xbe: {  	_ =	task.clear_ibuf [dreg:s4], $0x2FFFF;
	_ =	strace $0x9FFFFFFF  }
0xbf: {  	(tm) =	ssettm $0x7FFFFFFF  }
tec
execute0_lowered:
.L_overlay_start_1:
0x0: {  	(tag) =	ssettag $0x1  }
0x1: {  	s0 =	stileid.u32  }
0x2: {  	s1 =	smul.u32 $0x33, s0  }
0x3: {  	s3 =	simm.s32 $0x1A0;
	s2 =	smin.u32 s0, $0xD  }
0x4: {  	s7 =	rddreg [dreg:$0x0];
	p0 =	slt.u32 s0, $0xD;
	s1 =	sadd.s32 s2, s1  }
0x5: {  	s8 =	simm.s32 $0x1;
	s3 =	simm.s32 @!p0 $0x198;
	s2 =	sshll.u32 s1, $0x3  }
0x6: {  	s30 =	simm.s32 $0x2;
	s31 =	simm.s32 $0x3;
	s3 =	sadd.s32 s3, s2  }
0x7: {  	s12 =	simm.s32 $0x0;
	s9 =	simm.s32 $0x0;
	s3 =	smin.u32 s3, $0x19E8  }
0x8: {  	s10 =	simm.s32 $0x0;
	s4 =	sadd.s32 $0x3F200, s7;
	s6 =	ssub.s32 s3, s2  }
0x9: {  	s1 =	rddreg [dreg:$0x1];
	_ =	strace $0x8000004A;
	p0 =	sgt.s32 s6, $0x0  }
0xa: {  	s5 =	sadd.s32 $0x1CE00, s7;
	[sflag:s8] =	ssyncpa.u1 $0x0;
	s6 =	simm.s32 @!p0 $0x0  }
0xb: {  	s7 =	sadd.s32 $0x227800, s7;
	[sflag:s30] =	ssyncpa.u1 $0x0;
	s6 =	sshrl.u32 s6, $0x3  }
0xc: {  	s11 =	smov.u32 s2;
	[sflag:s31] =	ssyncpa.u1 $0x0;
	s8 =	sadd.s32 $0x1, s6  }
.LBB2_1:
0xd: {  	p0 =	sge.u32 s10, s6  }
0xe: {  	s31 =	sadd.s32 $0xFFFFFFFF, s10;
	s13 =	sxor.u32 @!p0 $0xFFFFFFFF, s9;
	s14 =	sshrl.u32 @!p0 s11, $0x3  }
0xf: {  	s15 =	sand.u32 @!p0 $0x7, s11;
	s13 =	sand.u32 @!p0 $0x8, s13;
	s14 =	sadd.s32 @!p0 s5, s14  }
0x10: {  	[tilespmem:s13], [sflag:$0x2] =	stream.linear.gather @!p0 [hbm4b:s14+s15], $0x8, $0x38;
	[tilespmem:$0x810] =	vst v63  }
0x11: {  	p0 =	sge.u32 s31, s6  }
0x12: {  	s13 =	simm.s32 @!p0 $0x2  }
0x13: {  	_ =	swait.ge @!p0 [sflag:s13], $0x8  }
0x14: {  	s14 =	sand.u32 @!p0 $0x1, s10;
	[sflag:s13] =	ssyncset.done @!p0 $0x0  }
0x15: {  	[sflag:s13] =	ssyncadd.s32 @!p0 $0xFFFFFFF8;
	s13 =	sshll.u32 @!p0 s14, $0x3  }
0x16: {  	v0 =	vld.msk @!p0 [tilespmem:s13+$0x0 ss:$0x1], $0xff;
	_ =	sdelay $0x4  }
0x17: {  	vm0 =	veq.s32 @!p0 v0, $0x80000000;
	v1 =	vand.u32 @!p0 $0x3, v0;
	v0 =	vshll.u32 @!p0 v0, $0x7  }
0x18: {  	v1 =	vsel @!p0 vm0, $0xFFFFFFFF, v1;
	v0 =	vand.u32 @!p0 $0xFFE00, v0  }
0x19: {  	v0 =	vsel @!p0 vm0, $0xFFFFFE00, v0;
	v2 =	vand.u32 @!p0 $0xFFFFFE00, v1;
	v1 =	vshll.u32 @!p0 v1, $0x7  }
0x1a: {  	v0 =	vadd.s32 @!p0 v2, v0;
	v1 =	vand.u32 @!p0 $0x180, v1  }
0x1b: {  	v0 =	vor.u32 @!p0 v1, v0  }
0x1c: {  	v0 =	vshrl.u32 @!p0 v0, $0x3;
	_ =	sdelay $0x2  }
0x1d: {  	s13 =	sshll.u32 @!p0 s14, $0xA  }
0x1e: {  	s14 =	simm.s32 @!p0 $0x1;
	s13 =	sor.u32 @!p0 $0x10, s13;
	vm0 =	vmmov @!p0 $0xff  }
0x1f: {  	[tilespmem:s13], [sflag:$0x1] =	stream.indirect_vreg.gather @!p0 [hbm:s4], $0x80, v0, vm0, $0x38;
	[tilespmem:$0x810] =	vst v63  }
0x20: {  	_ =	swait.ge @!p0 [sflag:s14], $0x400  }
0x21: {  	s12 =	sshll.u32 @!p0 s12, $0x4;
	[sflag:s14] =	ssyncset.done @!p0 $0x0  }
0x22: {  	s12 =	sadd.s32 @!p0 s7, s12;
	[sflag:s14] =	ssyncadd.s32 @!p0 $0xFFFFFC00  }
0x23: {  	[hbm:s12] =	stream.linear.scatter @!p0 [tilespmem:s13], [sflag:$0x3], $0x400, $0x38;
	[tilespmem:$0x810] =	vst v63  }
0x24: {  	s12 =	sadd.s32 $0x8, s11  }
0x25: {  	s14 =	smov.u32 s2;
	p1 =	slt.s32 s12, s3  }
0x26: {  	s14 =	smov.u32 @p1 s12;
	p1 =	sne.s32 s10, s8  }
.Ltmp0:
0x27: {  	p0 =	slt.u32 s10, $0x2;
	(pc) =	sbr.rel @p1 .LBB2_1-.Ltmp0, $4  }
0x28: {  	s13 =	simm.s32 @!p0 $0x3  }
0x29: {  	_ =	swait.ge @!p0 [sflag:s13], $0x400  }
0x2a: {  	s9 =	sadd.s32 $0x8, s9;
	s12 =	smov.u32 s11;
	[sflag:s13] =	ssyncset.done @!p0 $0x0  }
0x2b: {  	s10 =	sadd.s32 $0x1, s10;
	s11 =	smov.u32 s14;
	[sflag:s13] =	ssyncadd.s32 @!p0 $0xFFFFFC00  }
0x2c: {  	_ =	sfence.sel $0x180000  }
0x2d: {  	s2 =	simm.s32 $0x2;
	[bflag:$0x0] =	sbarrier.arrive $0xFFFF  }
0x2e: {  	s30 =	simm.s32 $0x3;
	[sflag:s2] =	ssyncpa.u1 $0x1  }
0x2f: {  	s31 =	simm.s32 $0x1;
	[sflag:s30] =	ssyncpa.u1 $0x1  }
0x30: {  	[sflag:s31] =	ssyncpa.u1 $0x1  }
0x31: {  	p0 =	sne.s32 s0, $0x0;
	_ =	strace $0x9000004A  }
0x32: {  	s0 =	sadd.s32 @!p0 $0x100000, s1;
	[bflag:$0x2] =	sbarrier.arrive $0xFFFF  }
0x33: {  	[sflag:s0] =	ssyncadd.tile.s32 @!p0 $0x1;
	_ =	shalt  }
.Lfunc_end2:
_tile_overlayer_lowered:
.L_overlay_start_2:
0x34: {  	(tag) =	ssettag $0x2  }
0x35: {  	s0 =	rddreg [dreg:$0x0];
	s2 =	stileid.u32  }
0x36: {  	s1 =	rddreg [dreg:$0x1];
	p0 =	sne.s32 s2, $0x0  }
0x37: {  	s3 =	rddreg [dreg:$0x2];
	[bflag:$0x3] =	sbarrier.arrive $0xFFFF;
	s2 =	simm.s32 @!p0 $0x1C01  }
0x38: {  	[timem:s3], [sflag:s2] =	dma.local @!p0 [hbm:s0], s1  }
0x39: {  	s0 =	simm.s32 @!p0 $0x1  }
0x3a: {  	_ =	swait.ge @!p0 [sflag:s0], s1  }
0x3b: {  	s1 =	ssub.s32 @!p0 $0x0, s1;
	[sflag:s0] =	ssyncset.done @!p0 $0x0  }
0x3c: {  	[sflag:s0] =	ssyncadd.s32 @!p0 s1  }
0x3d: {  	[bflag:$0x3] =	sbarrier.arrive $0xFFFF  }
0x3e: {  	_ =	shalt  }

// kernel: gather_offload_async_start.2
scs
__scs_entry_jumppad:
0x0: {  	(pc) =	sbr.rel $0x88, $3  }
0x1: {  	(tag) =	ssettag $0x0;
	lr =	simm.s32 $0x1  }
0x2: {  	[smem:$0x3F58] =	sst lr;
	_ =	strace $0xD0000000  }
0x3: {  	_ = 	snop  }
0x4: {  	_ = 	snop  }
0x5: {  	_ = 	snop  }
0x6: {  	_ = 	snop  }
0x7: {  	_ = 	snop  }
__scs_overlays_trampoline_lowered:
0x8: {  	[smem:$0x3F67] =	sst s0  }
0x9: {  	[smem:$0x3F68] =	sst s1  }
0xa: {  	[smem:$0x3F69] =	sst s2  }
0xb: {  	[smem:$0x3F6A] =	sst s3  }
0xc: {  	[smem:$0x3F6B] =	sst s4  }
0xd: {  	[smem:$0x3F6C] =	sst s5  }
0xe: {  	[smem:$0x3F6D] =	sst s6  }
0xf: {  	[smem:$0x3F6E] =	sst s7  }
0x10: {  	[smem:$0x3F6F] =	sst s8  }
0x11: {  	[smem:$0x3F70] =	sst s9;
	s0 =	simm.s32 @!p0 $0x0  }
0x12: {  	s1 =	sld [smem:$0x3F56];
	s0 =	simm.s32 @p0 $0x1  }
0x13: {  	[smem:$0x3F71] =	sst s0;
	s0 =	simm.s32 @!p1 $0x0  }
0x14: {  	s2 =	sld [smem:$0x3F55];
	s0 =	simm.s32 @p1 $0x1  }
0x15: {  	[smem:$0x3F72] =	sst s0;
	s0 =	simm.s32 @!p2 $0x0  }
0x16: {  	s3 =	sld [smem:$0x3FDB];
	s0 =	simm.s32 @p2 $0x1  }
0x17: {  	s4 =	simm.s32 $0x1BF5;
	[smem:$0x3F74] =	sst s0  }
0x18: {  	s0 =	sld [smem:$0x3F57];
	_ =	swait.ge [sflag:s4], $0x0  }
0x19: {  	s7 =	sld [smem:$0x3F58]  }
0x1a: {  	s8 =	sadd.s32 $0xFFFFE003, lr  }
0x1b: {  	s9 =	sadd.s32 $0xFFFFFEF7, lr;
	s5 =	simm.s32 $0xFFFFFFFF;
	p2 =	slt.u32 s8, $0xFFFFF086  }
0x1c: {  	p1 =	slt.u32 s9, $0xF7A;
	s5 =	simm.s32 @!p2 $0x0  }
0x1d: {  	s5 =	simm.s32 @p1 $0x1;
	p0 =	seq.s32 s7, s2  }
0x1e: {  	s7 =	smul.u32 @!p0 $0xF7A, s2;
	p2 =	seq.s32 @!p0 s5, $0x0  }
0x1f: {  	s9 =	smul.u32 $0xF7A, s1;
	s8 =	simm.s32 @!p0 $0x1BF5;
	p2 =	por !p2, p0  }
0x20: {  	[sflag:s8] =	ssyncset.s32 @!p0 $0xFFFFF086;
	s6 =	sadd.s32 @!p0 s3, s7;
	s7 =	simm.s32 @!p0 $0x108  }
0x21: {  	s3 =	sadd.s32 s3, s9;
	s6 =	sadd.s32 @!p0 $0x88, s6;
	s7 =	simm.s32 @p2 $0x1082  }
0x22: {  	[simem:s7], [sflag:s8] =	dma.local @!p0 [hbm:s6], $0xF7A  }
0x23: {  	s9 =	sor.u32 $0xD0000000, s2;
	s6 =	simm.s32 $0x108;
	_ =	swait.ge @!p0 [sflag:s8], $0x0  }
0x24: {  	s3 =	sadd.s32 $0x88, s3;
	s6 =	simm.s32 @!p1 $0x1082;
	[sflag:s4] =	ssyncset.s32 $0xFFFFF086  }
0x25: {  	[simem:s6], [sflag:s4] =	dma.local [hbm:s3], $0xF7A  }
0x26: {  	[smem:$0x3F58] =	sst s1;
	(tag) =	ssettag s2;
	_ =	strace s9  }
0x27: {  	s1 =	sld [smem:$0x3F68]  }
0x28: {  	s2 =	sld [smem:$0x3F69]  }
0x29: {  	s4 =	sld [smem:$0x3F6B]  }
0x2a: {  	p0 =	seq.s32 s5, $0x0;
	s5 =	sld [smem:$0x3F6C]  }
0x2b: {  	s6 =	sld [smem:$0x3F6D]  }
0x2c: {  	s7 =	sld [smem:$0x3F6E]  }
0x2d: {  	s3 =	simm.s32 $0x108;
	s8 =	sld [smem:$0x3F6F]  }
0x2e: {  	s3 =	simm.s32 @!p0 $0x1082;
	s9 =	sld [smem:$0x3F70]  }
0x2f: {  	lr =	sadd.s32 s0, s3;
	s0 =	sld [smem:$0x3F67]  }
0x30: {  	s3 =	sld [smem:$0x3F6A]  }
0x31: {  	[smem:$0x3F73] =	sst s10  }
0x32: {  	s10 =	sld [smem:$0x3F71];
	_ =	sdelay $0x3  }
0x33: {  	p0 =	seq.s32 s10, $0x1;
	s10 =	sld [smem:$0x3F73];
	_ =	sdelay $0x3  }
0x34: {  	[smem:$0x3F73] =	sst s10  }
0x35: {  	s10 =	sld [smem:$0x3F72];
	_ =	sdelay $0x3  }
0x36: {  	p1 =	seq.s32 s10, $0x1;
	s10 =	sld [smem:$0x3F73];
	_ =	sdelay $0x3  }
0x37: {  	[smem:$0x3F73] =	sst s10  }
0x38: {  	s10 =	sld [smem:$0x3F74]  }
0x39: {  	_ = 	snop;
	(pc) =	sbr.ind lr, $3  }
0x3a: {  	_ = 	snop  }
0x3b: {  	_ = 	snop  }
0x3c: {  	p2 =	seq.s32 s10, $0x1;
	s10 =	sld [smem:$0x3F73]  }
0x3d: {  	_ =	shalt  }
0x3e: {  	_ =	shalt  }
0x3f: {  	_ =	shalt  }
0x40: {  	_ =	shalt  }
0x41: {  	_ =	shalt  }
0x42: {  	_ =	shalt  }
0x43: {  	_ =	shalt  }
0x44: {  	_ =	shalt  }
0x45: {  	_ =	shalt  }
0x46: {  	_ =	shalt  }
0x47: {  	_ =	shalt  }
0x48: {  	_ =	shalt  }
0x49: {  	_ =	shalt  }
0x4a: {  	_ =	shalt  }
0x4b: {  	_ =	shalt  }
0x4c: {  	_ =	shalt  }
0x4d: {  	_ =	shalt  }
0x4e: {  	_ =	shalt  }
0x4f: {  	_ =	shalt  }
0x50: {  	_ =	shalt  }
0x51: {  	_ =	shalt  }
0x52: {  	_ =	shalt  }
0x53: {  	_ =	shalt  }
0x54: {  	_ =	shalt  }
0x55: {  	_ =	shalt  }
0x56: {  	_ =	shalt  }
0x57: {  	_ =	shalt  }
0x58: {  	_ =	shalt  }
0x59: {  	_ =	shalt  }
0x5a: {  	_ =	shalt  }
0x5b: {  	_ =	shalt  }
0x5c: {  	_ =	shalt  }
0x5d: {  	_ =	shalt  }
0x5e: {  	_ =	shalt  }
0x5f: {  	_ =	shalt  }
0x60: {  	_ =	shalt  }
0x61: {  	_ =	shalt  }
0x62: {  	_ =	shalt  }
0x63: {  	_ =	shalt  }
0x64: {  	_ =	shalt  }
0x65: {  	_ =	shalt  }
0x66: {  	_ =	shalt  }
0x67: {  	_ =	shalt  }
0x68: {  	_ =	shalt  }
0x69: {  	_ =	shalt  }
0x6a: {  	_ =	shalt  }
0x6b: {  	_ =	shalt  }
0x6c: {  	_ =	shalt  }
0x6d: {  	_ =	shalt  }
0x6e: {  	_ =	shalt  }
0x6f: {  	_ =	shalt  }
0x70: {  	_ =	shalt  }
0x71: {  	_ =	shalt  }
0x72: {  	_ =	shalt  }
0x73: {  	_ =	shalt  }
0x74: {  	_ =	shalt  }
0x75: {  	_ =	shalt  }
0x76: {  	_ =	shalt  }
0x77: {  	_ =	shalt  }
0x78: {  	_ =	shalt  }
0x79: {  	_ =	shalt  }
0x7a: {  	_ =	shalt  }
0x7b: {  	_ =	shalt  }
0x7c: {  	_ =	shalt  }
0x7d: {  	_ =	shalt  }
0x7e: {  	_ =	shalt  }
0x7f: {  	_ =	shalt  }
0x80: {  	_ =	shalt  }
0x81: {  	_ =	shalt  }
0x82: {  	_ =	shalt  }
0x83: {  	_ =	shalt  }
0x84: {  	_ =	shalt  }
0x85: {  	_ =	shalt  }
0x86: {  	_ =	shalt  }
0x87: {  	_ =	shalt  }
.Lfunc_end0:
.L_simem_size_0:
called_computation.5_lowered:
.L_overlay_start_0:
0x88: {  	s0 =	sld [smem:$0x3FD9]  }
0x89: {  	s1 =	sld [smem:$0x3FFE];
	_ =	sdelay $0x3  }
0x8a: {  	s0 =	sadd.s32 s1, s0  }
0x8b: {  	[smem:$0x3F7F] =	sst s0  }
0x8c: {  	_ = 	snop  }
0x8d: {  	(tm) =	ssettm $0x1  }
0x8e: {  	s15 =	sld [smem:$0x3FFB];
	_ =	sdelay $0x3  }
0x8f: {  	_ =	strace s15  }
0x90: {  	s0 =	sld [smem:$0x3FFC];
	_ =	sdelay $0x3  }
0x91: {  	_ =	strace s0  }
0x92: {  	s0 =	sld [smem:$0x3FFD];
	_ =	sdelay $0x3  }
0x93: {  	_ =	strace s0  }
0x94: {  	_ =	strace $0x8FFFFFFF  }
0x95: {  	s16 =	sld [smem:$0x3FDB];
	_ =	sdelay $0x1  }
0x96: {  	s17 =	simm.s32 $_scs_section_size  }
0x97: {  	s2 =	simm.s32 $_size__tile_overlayer_lowered;
	s3 =	simm.s32 $_tile_overlayer_lowered  }
0x98: {  	s20 =	simm.s32 $0x1BFF;
	s19 =	sshll.u32 s3, $0x1;
	s0 =	sadd.s32 s17, s16  }
0x99: {  	s4 =	simm.s32 $0x0;
	s18 =	sshll.u32 s2, $0x1;
	s2 =	sadd.s32 s19, s0  }
0x9a: {  	[timem:s4], [sflag:s20] =	dma.local [hbm:s2], s18  }
0x9b: {  	_ =	swait.ge [sflag:s20], s18  }
0x9c: {  	s1 =	ssub.s32 $0x0, s18;
	[sflag:s20] =	ssyncset.done $0x0  }
0x9d: {  	[sflag:s20] =	ssyncadd.s32 s1;
	_ =	sdelay $0x1  }
0x9e: {  	s21 =	simm.s32 $0x1B8B  }
0x9f: {  	_ =	swait.ge [sflag:s21], $0x1  }
0xa0: {  	[sflag:s21] =	ssyncset.done $0x0  }
0xa1: {  	s23 =	simm.s32 $0x1B8E;
	s22 =	sld [smem:$0x3FFE];
	[sflag:s21] =	ssyncadd.s32 $0xFFFFFFFF  }
0xa2: {  	s24 =	simm.s32 $execute0_lowered;
	[smem:$0x3FD2] =	sst s23  }
0xa3: {  	s2 =	sshll.u32 s24, $0x1;
	_ =	strace $0x8000004C;
	[dreg:$0x1] =	wrdreg $0xFFFFFFFF  }
0xa4: {  	s25 =	simm.s32 $_size_execute0_lowered;
	s0 =	sadd.s32 s0, s2;
	[dreg:$0x0] =	wrdreg $0x0  }
0xa5: {  	s2 =	sshll.u32 s25, $0x1;
	[dreg:$0x2] =	wrdreg s0  }
0xa6: {  	[dreg:$0x3] =	wrdreg s2  }
0xa7: {  	[dreg:$0x4] =	wrdreg $0xC0  }
0xa8: {  	_ =	task [dreg:s4], $0x5FFFF  }
0xa9: {  	[dreg:$0x1] =	wrdreg $0xFFFFFFFF  }
0xaa: {  	[dreg:$0x0] =	wrdreg $0x60  }
0xab: {  	[dreg:$0x2] =	wrdreg s22  }
0xac: {  	[dreg:$0x3] =	wrdreg $0xA  }
0xad: {  	_ =	task.clear_ibuf [dreg:s4], $0x4FFFF;
	_ =	strace $0x9000004C  }
0xae: {  	s26 =	simm.s32 $0xA;
	_ =	strace $0x8000004E  }
0xaf: {  	_ =	swait.ge [sflag:s26], $0x1  }
0xb0: {  	[sflag:s26] =	ssyncadd.s32 $0xFFFFFFFF  }
0xb1: {  	_ =	strace $0x9000004E  }
0xb2: {  	_ =	sfence  }
0xb3: {  	s28 =	sld [smem:$0x0];
	_ =	sdelay $0x1  }
0xb4: {  	s29 =	srdreg.scid  }
0xb5: {  	s30 =	sshll.u32 s29, $0xD;
	s31 =	sshrl.u32 s29, $0x2  }
0xb6: {  	s1 =	sand.u32 $0x1, s29;
	s2 =	sand.u32 $0x4000, s30;
	s0 =	sadd.s32 s31, s28  }
0xb7: {  	s1 =	sor.u32 s2, s1;
	s0 =	sshll.u32 s0, $0x11  }
0xb8: {  	s0 =	sor.u32 s0, s1  }
0xb9: {  	s0 =	sadd.s32 $0x8F2B, s0  }
0xba: {  	[sflag:s0] =	ssyncadd.remote.s32 $0x1  }
0xbb: {  	_ =	sfence.sel $0xFFFF  }
0xbc: {  	[dreg:$0x0] =	wrdreg $0xFFFFFFFF;
	(pc) =	sbr.abs _section_cstart, $3  }
0xbd: {  	[dreg:$0x1] =	wrdreg $0xFFFFFFFF  }
0xbe: {  	_ =	task.clear_ibuf [dreg:s4], $0x2FFFF;
	_ =	strace $0x9FFFFFFF  }
0xbf: {  	(tm) =	ssettm $0x7FFFFFFF  }
tec
execute0_lowered:
.L_overlay_start_1:
0x0: {  	(tag) =	ssettag $0x1  }
0x1: {  	s0 =	stileid.u32  }
0x2: {  	s1 =	smul.u32 $0x17, s0  }
0x3: {  	s3 =	simm.s32 $0x180;
	s2 =	smin.u32 s0, $0x5  }
0x4: {  	s7 =	rddreg [dreg:$0x0];
	p0 =	slt.u32 s0, $0x5;
	s1 =	sadd.s32 s2, s1  }
0x5: {  	s8 =	simm.s32 $0x1;
	s3 =	simm.s32 @!p0 $0x170;
	s2 =	sshll.u32 s1, $0x4  }
0x6: {  	s30 =	simm.s32 $0x2;
	s31 =	simm.s32 $0x3;
	s3 =	sadd.s32 s3, s2  }
0x7: {  	s12 =	simm.s32 $0x0;
	s9 =	simm.s32 $0x0;
	s3 =	smin.u32 s3, $0x1750  }
0x8: {  	s10 =	simm.s32 $0x0;
	s4 =	sadd.s32 $0x7C200, s7;
	s6 =	ssub.s32 s3, s2  }
0x9: {  	s1 =	rddreg [dreg:$0x1];
	_ =	strace $0x8000004D;
	p0 =	sgt.s32 s6, $0x0  }
0xa: {  	s5 =	sadd.s32 $0x25400, s7;
	[sflag:s8] =	ssyncpa.u1 $0x0;
	s6 =	simm.s32 @!p0 $0x0  }
0xb: {  	s7 =	sadd.s32 $0x25800, s7;
	[sflag:s30] =	ssyncpa.u1 $0x0;
	s6 =	sshrl.u32 s6, $0x4  }
0xc: {  	s11 =	smov.u32 s2;
	[sflag:s31] =	ssyncpa.u1 $0x0;
	s8 =	sadd.s32 $0x1, s6  }
.LBB2_1:
0xd: {  	p0 =	sge.u32 s10, s6  }
0xe: {  	s31 =	sadd.s32 $0xFFFFFFFF, s10;
	s13 =	sxor.u32 @!p0 $0xFFFFFFFF, s9;
	s14 =	sshrl.u32 @!p0 s11, $0x3  }
0xf: {  	s15 =	sand.u32 @!p0 $0x7, s11;
	s13 =	sand.u32 @!p0 $0x10, s13;
	s14 =	sadd.s32 @!p0 s5, s14  }
0x10: {  	[tilespmem:s13], [sflag:$0x2] =	stream.linear.gather @!p0 [hbm4b:s14+s15], $0x10, $0x38;
	[tilespmem:$0x1020] =	vst v63  }
0x11: {  	p0 =	sge.u32 s31, s6  }
0x12: {  	s13 =	simm.s32 @!p0 $0x2  }
0x13: {  	_ =	swait.ge @!p0 [sflag:s13], $0x10  }
0x14: {  	s14 =	sand.u32 @!p0 $0x1, s10;
	[sflag:s13] =	ssyncset.done @!p0 $0x0  }
0x15: {  	[sflag:s13] =	ssyncadd.s32 @!p0 $0xFFFFFFF0;
	s13 =	sshll.u32 @!p0 s14, $0x4  }
0x16: {  	v0 =	vld.msk @!p0 [tilespmem:s13+$0x0 ss:$0x1], $0xffff;
	_ =	sdelay $0x4  }
0x17: {  	vm0 =	veq.s32 @!p0 v0, $0x80000000;
	v1 =	vand.u32 @!p0 $0x3, v0;
	v0 =	vshll.u32 @!p0 v0, $0x7  }
0x18: {  	v1 =	vsel @!p0 vm0, $0xFFFFFFFF, v1;
	v0 =	vand.u32 @!p0 $0xFFE00, v0  }
0x19: {  	v0 =	vsel @!p0 vm0, $0xFFFFFE00, v0;
	v2 =	vand.u32 @!p0 $0xFFFFFE00, v1;
	v1 =	vshll.u32 @!p0 v1, $0x7  }
0x1a: {  	v0 =	vadd.s32 @!p0 v2, v0;
	v1 =	vand.u32 @!p0 $0x180, v1  }
0x1b: {  	v0 =	vor.u32 @!p0 v1, v0  }
0x1c: {  	v0 =	vshrl.u32 @!p0 v0, $0x3;
	_ =	sdelay $0x2  }
0x1d: {  	s13 =	sshll.u32 @!p0 s14, $0xB  }
0x1e: {  	s14 =	sor.u32 @!p0 $0x20, s13;
	vm0 =	vmmov @!p0 $0xff  }
0x1f: {  	[tilespmem:s14], [sflag:$0x1] =	stream.indirect_vreg.gather @!p0 [hbm:s4], $0x80, v0, vm0, $0x38;
	[tilespmem:$0x1020] =	vst v63  }
0x20: {  	s15 =	simm.s32 @!p0 $0x1;
	s13 =	sor.u32 @!p0 $0x420, s13;
	vm0 =	vcmask @!p0 $0x3F20  }
0x21: {  	[tilespmem:s13], [sflag:$0x1] =	stream.indirect_vreg.gather @!p0 [hbm:s4], $0x80, v0, vm0, $0x38;
	[tilespmem:$0x1020] =	vst v63  }
0x22: {  	_ =	swait.ge @!p0 [sflag:s15], $0x800  }
0x23: {  	s12 =	sshll.u32 @!p0 s12, $0x4;
	[sflag:s15] =	ssyncset.done @!p0 $0x0  }
0x24: {  	s12 =	sadd.s32 @!p0 s7, s12;
	[sflag:s15] =	ssyncadd.s32 @!p0 $0xFFFFF800  }
0x25: {  	[hbm:s12] =	stream.linear.scatter @!p0 [tilespmem:s14], [sflag:$0x3], $0x400, $0x38;
	[tilespmem:$0x1020] =	vst v63  }
0x26: {  	s12 =	sadd.s32 @!p0 $0x80, s12  }
0x27: {  	[hbm:s12] =	stream.linear.scatter @!p0 [tilespmem:s13], [sflag:$0x3], $0x400, $0x38;
	[tilespmem:$0x1020] =	vst v63  }
0x28: {  	s12 =	sadd.s32 $0x10, s11  }
0x29: {  	s14 =	smov.u32 s2;
	p1 =	slt.s32 s12, s3  }
0x2a: {  	s14 =	smov.u32 @p1 s12;
	p1 =	sne.s32 s10, s8  }
.Ltmp0:
0x2b: {  	p0 =	slt.u32 s10, $0x2;
	(pc) =	sbr.rel @p1 .LBB2_1-.Ltmp0, $4  }
0x2c: {  	s13 =	simm.s32 @!p0 $0x3  }
0x2d: {  	_ =	swait.ge @!p0 [sflag:s13], $0x800  }
0x2e: {  	s9 =	sadd.s32 $0x10, s9;
	s12 =	smov.u32 s11;
	[sflag:s13] =	ssyncset.done @!p0 $0x0  }
0x2f: {  	s10 =	sadd.s32 $0x1, s10;
	s11 =	smov.u32 s14;
	[sflag:s13] =	ssyncadd.s32 @!p0 $0xFFFFF800  }
0x30: {  	_ =	sfence.sel $0x180000  }
0x31: {  	s2 =	simm.s32 $0x2;
	[bflag:$0x0] =	sbarrier.arrive $0xFFFF  }
0x32: {  	s30 =	simm.s32 $0x3;
	[sflag:s2] =	ssyncpa.u1 $0x1  }
0x33: {  	s31 =	simm.s32 $0x1;
	[sflag:s30] =	ssyncpa.u1 $0x1  }
0x34: {  	[sflag:s31] =	ssyncpa.u1 $0x1  }
0x35: {  	p0 =	sne.s32 s0, $0x0;
	_ =	strace $0x9000004D  }
0x36: {  	s0 =	sadd.s32 @!p0 $0x100000, s1;
	[bflag:$0x2] =	sbarrier.arrive $0xFFFF  }
0x37: {  	[sflag:s0] =	ssyncadd.tile.s32 @!p0 $0x1;
	_ =	shalt  }
.Lfunc_end2:
_tile_overlayer_lowered:
.L_overlay_start_2:
0x38: {  	(tag) =	ssettag $0x2  }
0x39: {  	s0 =	rddreg [dreg:$0x0];
	s2 =	stileid.u32  }
0x3a: {  	s1 =	rddreg [dreg:$0x1];
	p0 =	sne.s32 s2, $0x0  }
0x3b: {  	s3 =	rddreg [dreg:$0x2];
	[bflag:$0x3] =	sbarrier.arrive $0xFFFF;
	s2 =	simm.s32 @!p0 $0x1C01  }
0x3c: {  	[timem:s3], [sflag:s2] =	dma.local @!p0 [hbm:s0], s1  }
0x3d: {  	s0 =	simm.s32 @!p0 $0x1  }
0x3e: {  	_ =	swait.ge @!p0 [sflag:s0], s1  }
0x3f: {  	s1 =	ssub.s32 @!p0 $0x0, s1;
	[sflag:s0] =	ssyncset.done @!p0 $0x0  }
0x40: {  	[sflag:s0] =	ssyncadd.s32 @!p0 s1  }
0x41: {  	[bflag:$0x3] =	sbarrier.arrive $0xFFFF  }
0x42: {  	_ =	shalt  }

// kernel: gather_offload_async_start.3
scs
__scs_entry_jumppad:
0x0: {  	(pc) =	sbr.rel $0x88, $3  }
0x1: {  	(tag) =	ssettag $0x0;
	lr =	simm.s32 $0x1  }
0x2: {  	[smem:$0x3F58] =	sst lr;
	_ =	strace $0xD0000000  }
0x3: {  	_ = 	snop  }
0x4: {  	_ = 	snop  }
0x5: {  	_ = 	snop  }
0x6: {  	_ = 	snop  }
0x7: {  	_ = 	snop  }
__scs_overlays_trampoline_lowered:
0x8: {  	[smem:$0x3F67] =	sst s0  }
0x9: {  	[smem:$0x3F68] =	sst s1  }
0xa: {  	[smem:$0x3F69] =	sst s2  }
0xb: {  	[smem:$0x3F6A] =	sst s3  }
0xc: {  	[smem:$0x3F6B] =	sst s4  }
0xd: {  	[smem:$0x3F6C] =	sst s5  }
0xe: {  	[smem:$0x3F6D] =	sst s6  }
0xf: {  	[smem:$0x3F6E] =	sst s7  }
0x10: {  	[smem:$0x3F6F] =	sst s8  }
0x11: {  	[smem:$0x3F70] =	sst s9;
	s0 =	simm.s32 @!p0 $0x0  }
0x12: {  	s1 =	sld [smem:$0x3F56];
	s0 =	simm.s32 @p0 $0x1  }
0x13: {  	[smem:$0x3F71] =	sst s0;
	s0 =	simm.s32 @!p1 $0x0  }
0x14: {  	s2 =	sld [smem:$0x3F55];
	s0 =	simm.s32 @p1 $0x1  }
0x15: {  	[smem:$0x3F72] =	sst s0;
	s0 =	simm.s32 @!p2 $0x0  }
0x16: {  	s3 =	sld [smem:$0x3FDB];
	s0 =	simm.s32 @p2 $0x1  }
0x17: {  	s4 =	simm.s32 $0x1BF5;
	[smem:$0x3F74] =	sst s0  }
0x18: {  	s0 =	sld [smem:$0x3F57];
	_ =	swait.ge [sflag:s4], $0x0  }
0x19: {  	s7 =	sld [smem:$0x3F58]  }
0x1a: {  	s8 =	sadd.s32 $0xFFFFE003, lr  }
0x1b: {  	s9 =	sadd.s32 $0xFFFFFEF7, lr;
	s5 =	simm.s32 $0xFFFFFFFF;
	p2 =	slt.u32 s8, $0xFFFFF086  }
0x1c: {  	p1 =	slt.u32 s9, $0xF7A;
	s5 =	simm.s32 @!p2 $0x0  }
0x1d: {  	s5 =	simm.s32 @p1 $0x1;
	p0 =	seq.s32 s7, s2  }
0x1e: {  	s7 =	smul.u32 @!p0 $0xF7A, s2;
	p2 =	seq.s32 @!p0 s5, $0x0  }
0x1f: {  	s9 =	smul.u32 $0xF7A, s1;
	s8 =	simm.s32 @!p0 $0x1BF5;
	p2 =	por !p2, p0  }
0x20: {  	[sflag:s8] =	ssyncset.s32 @!p0 $0xFFFFF086;
	s6 =	sadd.s32 @!p0 s3, s7;
	s7 =	simm.s32 @!p0 $0x108  }
0x21: {  	s3 =	sadd.s32 s3, s9;
	s6 =	sadd.s32 @!p0 $0x88, s6;
	s7 =	simm.s32 @p2 $0x1082  }
0x22: {  	[simem:s7], [sflag:s8] =	dma.local @!p0 [hbm:s6], $0xF7A  }
0x23: {  	s9 =	sor.u32 $0xD0000000, s2;
	s6 =	simm.s32 $0x108;
	_ =	swait.ge @!p0 [sflag:s8], $0x0  }
0x24: {  	s3 =	sadd.s32 $0x88, s3;
	s6 =	simm.s32 @!p1 $0x1082;
	[sflag:s4] =	ssyncset.s32 $0xFFFFF086  }
0x25: {  	[simem:s6], [sflag:s4] =	dma.local [hbm:s3], $0xF7A  }
0x26: {  	[smem:$0x3F58] =	sst s1;
	(tag) =	ssettag s2;
	_ =	strace s9  }
0x27: {  	s1 =	sld [smem:$0x3F68]  }
0x28: {  	s2 =	sld [smem:$0x3F69]  }
0x29: {  	s4 =	sld [smem:$0x3F6B]  }
0x2a: {  	p0 =	seq.s32 s5, $0x0;
	s5 =	sld [smem:$0x3F6C]  }
0x2b: {  	s6 =	sld [smem:$0x3F6D]  }
0x2c: {  	s7 =	sld [smem:$0x3F6E]  }
0x2d: {  	s3 =	simm.s32 $0x108;
	s8 =	sld [smem:$0x3F6F]  }
0x2e: {  	s3 =	simm.s32 @!p0 $0x1082;
	s9 =	sld [smem:$0x3F70]  }
0x2f: {  	lr =	sadd.s32 s0, s3;
	s0 =	sld [smem:$0x3F67]  }
0x30: {  	s3 =	sld [smem:$0x3F6A]  }
0x31: {  	[smem:$0x3F73] =	sst s10  }
0x32: {  	s10 =	sld [smem:$0x3F71];
	_ =	sdelay $0x3  }
0x33: {  	p0 =	seq.s32 s10, $0x1;
	s10 =	sld [smem:$0x3F73];
	_ =	sdelay $0x3  }
0x34: {  	[smem:$0x3F73] =	sst s10  }
0x35: {  	s10 =	sld [smem:$0x3F72];
	_ =	sdelay $0x3  }
0x36: {  	p1 =	seq.s32 s10, $0x1;
	s10 =	sld [smem:$0x3F73];
	_ =	sdelay $0x3  }
0x37: {  	[smem:$0x3F73] =	sst s10  }
0x38: {  	s10 =	sld [smem:$0x3F74]  }
0x39: {  	_ = 	snop;
	(pc) =	sbr.ind lr, $3  }
0x3a: {  	_ = 	snop  }
0x3b: {  	_ = 	snop  }
0x3c: {  	p2 =	seq.s32 s10, $0x1;
	s10 =	sld [smem:$0x3F73]  }
0x3d: {  	_ =	shalt  }
0x3e: {  	_ =	shalt  }
0x3f: {  	_ =	shalt  }
0x40: {  	_ =	shalt  }
0x41: {  	_ =	shalt  }
0x42: {  	_ =	shalt  }
0x43: {  	_ =	shalt  }
0x44: {  	_ =	shalt  }
0x45: {  	_ =	shalt  }
0x46: {  	_ =	shalt  }
0x47: {  	_ =	shalt  }
0x48: {  	_ =	shalt  }
0x49: {  	_ =	shalt  }
0x4a: {  	_ =	shalt  }
0x4b: {  	_ =	shalt  }
0x4c: {  	_ =	shalt  }
0x4d: {  	_ =	shalt  }
0x4e: {  	_ =	shalt  }
0x4f: {  	_ =	shalt  }
0x50: {  	_ =	shalt  }
0x51: {  	_ =	shalt  }
0x52: {  	_ =	shalt  }
0x53: {  	_ =	shalt  }
0x54: {  	_ =	shalt  }
0x55: {  	_ =	shalt  }
0x56: {  	_ =	shalt  }
0x57: {  	_ =	shalt  }
0x58: {  	_ =	shalt  }
0x59: {  	_ =	shalt  }
0x5a: {  	_ =	shalt  }
0x5b: {  	_ =	shalt  }
0x5c: {  	_ =	shalt  }
0x5d: {  	_ =	shalt  }
0x5e: {  	_ =	shalt  }
0x5f: {  	_ =	shalt  }
0x60: {  	_ =	shalt  }
0x61: {  	_ =	shalt  }
0x62: {  	_ =	shalt  }
0x63: {  	_ =	shalt  }
0x64: {  	_ =	shalt  }
0x65: {  	_ =	shalt  }
0x66: {  	_ =	shalt  }
0x67: {  	_ =	shalt  }
0x68: {  	_ =	shalt  }
0x69: {  	_ =	shalt  }
0x6a: {  	_ =	shalt  }
0x6b: {  	_ =	shalt  }
0x6c: {  	_ =	shalt  }
0x6d: {  	_ =	shalt  }
0x6e: {  	_ =	shalt  }
0x6f: {  	_ =	shalt  }
0x70: {  	_ =	shalt  }
0x71: {  	_ =	shalt  }
0x72: {  	_ =	shalt  }
0x73: {  	_ =	shalt  }
0x74: {  	_ =	shalt  }
0x75: {  	_ =	shalt  }
0x76: {  	_ =	shalt  }
0x77: {  	_ =	shalt  }
0x78: {  	_ =	shalt  }
0x79: {  	_ =	shalt  }
0x7a: {  	_ =	shalt  }
0x7b: {  	_ =	shalt  }
0x7c: {  	_ =	shalt  }
0x7d: {  	_ =	shalt  }
0x7e: {  	_ =	shalt  }
0x7f: {  	_ =	shalt  }
0x80: {  	_ =	shalt  }
0x81: {  	_ =	shalt  }
0x82: {  	_ =	shalt  }
0x83: {  	_ =	shalt  }
0x84: {  	_ =	shalt  }
0x85: {  	_ =	shalt  }
0x86: {  	_ =	shalt  }
0x87: {  	_ =	shalt  }
.Lfunc_end0:
.L_simem_size_0:
called_computation.6_lowered:
.L_overlay_start_0:
0x88: {  	s0 =	sld [smem:$0x3FD9]  }
0x89: {  	s1 =	sld [smem:$0x3FFE];
	_ =	sdelay $0x3  }
0x8a: {  	s0 =	sadd.s32 s1, s0  }
0x8b: {  	[smem:$0x3F7F] =	sst s0  }
0x8c: {  	_ = 	snop  }
0x8d: {  	(tm) =	ssettm $0x1  }
0x8e: {  	s15 =	sld [smem:$0x3FFB];
	_ =	sdelay $0x3  }
0x8f: {  	_ =	strace s15  }
0x90: {  	s0 =	sld [smem:$0x3FFC];
	_ =	sdelay $0x3  }
0x91: {  	_ =	strace s0  }
0x92: {  	s0 =	sld [smem:$0x3FFD];
	_ =	sdelay $0x3  }
0x93: {  	_ =	strace s0  }
0x94: {  	_ =	strace $0x8FFFFFFF  }
0x95: {  	s16 =	sld [smem:$0x3FDB];
	_ =	sdelay $0x1  }
0x96: {  	s17 =	simm.s32 $_scs_section_size  }
0x97: {  	s2 =	simm.s32 $_size__tile_overlayer_lowered;
	s3 =	simm.s32 $_tile_overlayer_lowered  }
0x98: {  	s20 =	simm.s32 $0x1BFF;
	s19 =	sshll.u32 s3, $0x1;
	s0 =	sadd.s32 s17, s16  }
0x99: {  	s4 =	simm.s32 $0x0;
	s18 =	sshll.u32 s2, $0x1;
	s2 =	sadd.s32 s19, s0  }
0x9a: {  	[timem:s4], [sflag:s20] =	dma.local [hbm:s2], s18  }
0x9b: {  	_ =	swait.ge [sflag:s20], s18  }
0x9c: {  	s1 =	ssub.s32 $0x0, s18;
	[sflag:s20] =	ssyncset.done $0x0  }
0x9d: {  	[sflag:s20] =	ssyncadd.s32 s1;
	_ =	sdelay $0x1  }
0x9e: {  	s21 =	simm.s32 $0x1B8B  }
0x9f: {  	_ =	swait.ge [sflag:s21], $0x1  }
0xa0: {  	[sflag:s21] =	ssyncset.done $0x0  }
0xa1: {  	s23 =	simm.s32 $0x1B8E;
	s22 =	sld [smem:$0x3FFE];
	[sflag:s21] =	ssyncadd.s32 $0xFFFFFFFF  }
0xa2: {  	s24 =	simm.s32 $execute0_lowered;
	[smem:$0x3FD2] =	sst s23  }
0xa3: {  	s2 =	sshll.u32 s24, $0x1;
	_ =	strace $0x80000052;
	[dreg:$0x1] =	wrdreg $0xFFFFFFFF  }
0xa4: {  	s25 =	simm.s32 $_size_execute0_lowered;
	s0 =	sadd.s32 s0, s2;
	[dreg:$0x0] =	wrdreg $0x0  }
0xa5: {  	s2 =	sshll.u32 s25, $0x1;
	[dreg:$0x2] =	wrdreg s0  }
0xa6: {  	[dreg:$0x3] =	wrdreg s2  }
0xa7: {  	[dreg:$0x4] =	wrdreg $0xC0  }
0xa8: {  	_ =	task [dreg:s4], $0x5FFFF  }
0xa9: {  	[dreg:$0x1] =	wrdreg $0xFFFFFFFF  }
0xaa: {  	[dreg:$0x0] =	wrdreg $0x60  }
0xab: {  	[dreg:$0x2] =	wrdreg s22  }
0xac: {  	[dreg:$0x3] =	wrdreg $0xA  }
0xad: {  	_ =	task.clear_ibuf [dreg:s4], $0x4FFFF;
	_ =	strace $0x90000052  }
0xae: {  	s26 =	simm.s32 $0xA;
	_ =	strace $0x80000054  }
0xaf: {  	_ =	swait.ge [sflag:s26], $0x1  }
0xb0: {  	[sflag:s26] =	ssyncadd.s32 $0xFFFFFFFF  }
0xb1: {  	_ =	strace $0x90000054  }
0xb2: {  	_ =	sfence  }
0xb3: {  	s28 =	sld [smem:$0x0];
	_ =	sdelay $0x1  }
0xb4: {  	s29 =	srdreg.scid  }
0xb5: {  	s30 =	sshll.u32 s29, $0xD;
	s31 =	sshrl.u32 s29, $0x2  }
0xb6: {  	s1 =	sand.u32 $0x1, s29;
	s2 =	sand.u32 $0x4000, s30;
	s0 =	sadd.s32 s31, s28  }
0xb7: {  	s1 =	sor.u32 s2, s1;
	s0 =	sshll.u32 s0, $0x11  }
0xb8: {  	s0 =	sor.u32 s0, s1  }
0xb9: {  	s0 =	sadd.s32 $0x8F2B, s0  }
0xba: {  	[sflag:s0] =	ssyncadd.remote.s32 $0x1  }
0xbb: {  	_ =	sfence.sel $0xFFFF  }
0xbc: {  	[dreg:$0x0] =	wrdreg $0xFFFFFFFF;
	(pc) =	sbr.abs _section_cstart, $3  }
0xbd: {  	[dreg:$0x1] =	wrdreg $0xFFFFFFFF  }
0xbe: {  	_ =	task.clear_ibuf [dreg:s4], $0x2FFFF;
	_ =	strace $0x9FFFFFFF  }
0xbf: {  	(tm) =	ssettm $0x7FFFFFFF  }
tec
execute0_lowered:
.L_overlay_start_1:
0x0: {  	(tag) =	ssettag $0x1  }
0x1: {  	s0 =	stileid.u32  }
0x2: {  	s1 =	smul.u32 $0x17, s0  }
0x3: {  	s3 =	simm.s32 $0x180;
	s2 =	smin.u32 s0, $0x5  }
0x4: {  	s7 =	rddreg [dreg:$0x0];
	p0 =	slt.u32 s0, $0x5;
	s1 =	sadd.s32 s2, s1  }
0x5: {  	s8 =	simm.s32 $0x1;
	s3 =	simm.s32 @!p0 $0x170;
	s2 =	sshll.u32 s1, $0x4  }
0x6: {  	s30 =	simm.s32 $0x2;
	s31 =	simm.s32 $0x3;
	s3 =	sadd.s32 s3, s2  }
0x7: {  	s12 =	simm.s32 $0x0;
	s9 =	simm.s32 $0x0;
	s3 =	smin.u32 s3, $0x1750  }
0x8: {  	s10 =	simm.s32 $0x0;
	s4 =	sadd.s32 $0x96200, s7;
	s6 =	ssub.s32 s3, s2  }
0x9: {  	s1 =	rddreg [dreg:$0x1];
	_ =	strace $0x80000053;
	p0 =	sgt.s32 s6, $0x0  }
0xa: {  	s5 =	sadd.s32 $0x25400, s7;
	[sflag:s8] =	ssyncpa.u1 $0x0;
	s6 =	simm.s32 @!p0 $0x0  }
0xb: {  	s7 =	sadd.s32 $0x26200, s7;
	[sflag:s30] =	ssyncpa.u1 $0x0;
	s6 =	sshrl.u32 s6, $0x4  }
0xc: {  	s11 =	smov.u32 s2;
	[sflag:s31] =	ssyncpa.u1 $0x0;
	s8 =	sadd.s32 $0x1, s6  }
.LBB2_1:
0xd: {  	p0 =	sge.u32 s10, s6  }
0xe: {  	s31 =	sadd.s32 $0xFFFFFFFF, s10;
	s13 =	sxor.u32 @!p0 $0xFFFFFFFF, s9;
	s14 =	sshrl.u32 @!p0 s11, $0x3  }
0xf: {  	s15 =	sand.u32 @!p0 $0x7, s11;
	s13 =	sand.u32 @!p0 $0x10, s13;
	s14 =	sadd.s32 @!p0 s5, s14  }
0x10: {  	[tilespmem:s13], [sflag:$0x2] =	stream.linear.gather @!p0 [hbm4b:s14+s15], $0x10, $0x38;
	[tilespmem:$0x1020] =	vst v63  }
0x11: {  	p0 =	sge.u32 s31, s6  }
0x12: {  	s13 =	simm.s32 @!p0 $0x2  }
0x13: {  	_ =	swait.ge @!p0 [sflag:s13], $0x10  }
0x14: {  	s14 =	sand.u32 @!p0 $0x1, s10;
	[sflag:s13] =	ssyncset.done @!p0 $0x0  }
0x15: {  	[sflag:s13] =	ssyncadd.s32 @!p0 $0xFFFFFFF0;
	s13 =	sshll.u32 @!p0 s14, $0x4  }
0x16: {  	v0 =	vld.msk @!p0 [tilespmem:s13+$0x0 ss:$0x1], $0xffff;
	_ =	sdelay $0x4  }
0x17: {  	vm0 =	veq.s32 @!p0 v0, $0x80000000;
	v1 =	vand.u32 @!p0 $0x3, v0;
	v0 =	vshll.u32 @!p0 v0, $0x7  }
0x18: {  	v1 =	vsel @!p0 vm0, $0xFFFFFFFF, v1;
	v0 =	vand.u32 @!p0 $0xFFE00, v0  }
0x19: {  	v0 =	vsel @!p0 vm0, $0xFFFFFE00, v0;
	v2 =	vand.u32 @!p0 $0xFFFFFE00, v1;
	v1 =	vshll.u32 @!p0 v1, $0x7  }
0x1a: {  	v0 =	vadd.s32 @!p0 v2, v0;
	v1 =	vand.u32 @!p0 $0x180, v1  }
0x1b: {  	v0 =	vor.u32 @!p0 v1, v0  }
0x1c: {  	v0 =	vshrl.u32 @!p0 v0, $0x3;
	_ =	sdelay $0x2  }
0x1d: {  	s13 =	sshll.u32 @!p0 s14, $0xB  }
0x1e: {  	s14 =	sor.u32 @!p0 $0x20, s13;
	vm0 =	vmmov @!p0 $0xff  }
0x1f: {  	[tilespmem:s14], [sflag:$0x1] =	stream.indirect_vreg.gather @!p0 [hbm:s4], $0x80, v0, vm0, $0x38;
	[tilespmem:$0x1020] =	vst v63  }
0x20: {  	s15 =	simm.s32 @!p0 $0x1;
	s13 =	sor.u32 @!p0 $0x420, s13;
	vm0 =	vcmask @!p0 $0x3F20  }
0x21: {  	[tilespmem:s13], [sflag:$0x1] =	stream.indirect_vreg.gather @!p0 [hbm:s4], $0x80, v0, vm0, $0x38;
	[tilespmem:$0x1020] =	vst v63  }
0x22: {  	_ =	swait.ge @!p0 [sflag:s15], $0x800  }
0x23: {  	s12 =	sshll.u32 @!p0 s12, $0x4;
	[sflag:s15] =	ssyncset.done @!p0 $0x0  }
0x24: {  	s12 =	sadd.s32 @!p0 s7, s12;
	[sflag:s15] =	ssyncadd.s32 @!p0 $0xFFFFF800  }
0x25: {  	[hbm:s12] =	stream.linear.scatter @!p0 [tilespmem:s14], [sflag:$0x3], $0x400, $0x38;
	[tilespmem:$0x1020] =	vst v63  }
0x26: {  	s12 =	sadd.s32 @!p0 $0x80, s12  }
0x27: {  	[hbm:s12] =	stream.linear.scatter @!p0 [tilespmem:s13], [sflag:$0x3], $0x400, $0x38;
	[tilespmem:$0x1020] =	vst v63  }
0x28: {  	s12 =	sadd.s32 $0x10, s11  }
0x29: {  	s14 =	smov.u32 s2;
	p1 =	slt.s32 s12, s3  }
0x2a: {  	s14 =	smov.u32 @p1 s12;
	p1 =	sne.s32 s10, s8  }
.Ltmp0:
0x2b: {  	p0 =	slt.u32 s10, $0x2;
	(pc) =	sbr.rel @p1 .LBB2_1-.Ltmp0, $4  }
0x2c: {  	s13 =	simm.s32 @!p0 $0x3  }
0x2d: {  	_ =	swait.ge @!p0 [sflag:s13], $0x800  }
0x2e: {  	s9 =	sadd.s32 $0x10, s9;
	s12 =	smov.u32 s11;
	[sflag:s13] =	ssyncset.done @!p0 $0x0  }
0x2f: {  	s10 =	sadd.s32 $0x1, s10;
	s11 =	smov.u32 s14;
	[sflag:s13] =	ssyncadd.s32 @!p0 $0xFFFFF800  }
0x30: {  	_ =	sfence.sel $0x180000  }
0x31: {  	s2 =	simm.s32 $0x2;
	[bflag:$0x0] =	sbarrier.arrive $0xFFFF  }
0x32: {  	s30 =	simm.s32 $0x3;
	[sflag:s2] =	ssyncpa.u1 $0x1  }
0x33: {  	s31 =	simm.s32 $0x1;
	[sflag:s30] =	ssyncpa.u1 $0x1  }
0x34: {  	[sflag:s31] =	ssyncpa.u1 $0x1  }
0x35: {  	p0 =	sne.s32 s0, $0x0;
	_ =	strace $0x90000053  }
0x36: {  	s0 =	sadd.s32 @!p0 $0x100000, s1;
	[bflag:$0x2] =	sbarrier.arrive $0xFFFF  }
0x37: {  	[sflag:s0] =	ssyncadd.tile.s32 @!p0 $0x1;
	_ =	shalt  }
.Lfunc_end2:
_tile_overlayer_lowered:
.L_overlay_start_2:
0x38: {  	(tag) =	ssettag $0x2  }
0x39: {  	s0 =	rddreg [dreg:$0x0];
	s2 =	stileid.u32  }
0x3a: {  	s1 =	rddreg [dreg:$0x1];
	p0 =	sne.s32 s2, $0x0  }
0x3b: {  	s3 =	rddreg [dreg:$0x2];
	[bflag:$0x3] =	sbarrier.arrive $0xFFFF;
	s2 =	simm.s32 @!p0 $0x1C01  }
0x3c: {  	[timem:s3], [sflag:s2] =	dma.local @!p0 [hbm:s0], s1  }
0x3d: {  	s0 =	simm.s32 @!p0 $0x1  }
0x3e: {  	_ =	swait.ge @!p0 [sflag:s0], s1  }
0x3f: {  	s1 =	ssub.s32 @!p0 $0x0, s1;
	[sflag:s0] =	ssyncset.done @!p0 $0x0  }
0x40: {  	[sflag:s0] =	ssyncadd.s32 @!p0 s1  }
0x41: {  	[bflag:$0x3] =	sbarrier.arrive $0xFFFF  }
0x42: {  	_ =	shalt  }

// kernel: gather_offload_async_start
scs
__scs_entry_jumppad:
0x0: {  	(pc) =	sbr.rel $0x88, $3  }
0x1: {  	(tag) =	ssettag $0x0;
	lr =	simm.s32 $0x1  }
0x2: {  	[smem:$0x3F58] =	sst lr;
	_ =	strace $0xD0000000  }
0x3: {  	_ = 	snop  }
0x4: {  	_ = 	snop  }
0x5: {  	_ = 	snop  }
0x6: {  	_ = 	snop  }
0x7: {  	_ = 	snop  }
__scs_overlays_trampoline_lowered:
0x8: {  	[smem:$0x3F67] =	sst s0  }
0x9: {  	[smem:$0x3F68] =	sst s1  }
0xa: {  	[smem:$0x3F69] =	sst s2  }
0xb: {  	[smem:$0x3F6A] =	sst s3  }
0xc: {  	[smem:$0x3F6B] =	sst s4  }
0xd: {  	[smem:$0x3F6C] =	sst s5  }
0xe: {  	[smem:$0x3F6D] =	sst s6  }
0xf: {  	[smem:$0x3F6E] =	sst s7  }
0x10: {  	[smem:$0x3F6F] =	sst s8  }
0x11: {  	[smem:$0x3F70] =	sst s9;
	s0 =	simm.s32 @!p0 $0x0  }
0x12: {  	s1 =	sld [smem:$0x3F56];
	s0 =	simm.s32 @p0 $0x1  }
0x13: {  	[smem:$0x3F71] =	sst s0;
	s0 =	simm.s32 @!p1 $0x0  }
0x14: {  	s2 =	sld [smem:$0x3F55];
	s0 =	simm.s32 @p1 $0x1  }
0x15: {  	[smem:$0x3F72] =	sst s0;
	s0 =	simm.s32 @!p2 $0x0  }
0x16: {  	s3 =	sld [smem:$0x3FDB];
	s0 =	simm.s32 @p2 $0x1  }
0x17: {  	s4 =	simm.s32 $0x1BF5;
	[smem:$0x3F74] =	sst s0  }
0x18: {  	s0 =	sld [smem:$0x3F57];
	_ =	swait.ge [sflag:s4], $0x0  }
0x19: {  	s7 =	sld [smem:$0x3F58]  }
0x1a: {  	s8 =	sadd.s32 $0xFFFFE003, lr  }
0x1b: {  	s9 =	sadd.s32 $0xFFFFFEF7, lr;
	s5 =	simm.s32 $0xFFFFFFFF;
	p2 =	slt.u32 s8, $0xFFFFF086  }
0x1c: {  	p1 =	slt.u32 s9, $0xF7A;
	s5 =	simm.s32 @!p2 $0x0  }
0x1d: {  	s5 =	simm.s32 @p1 $0x1;
	p0 =	seq.s32 s7, s2  }
0x1e: {  	s7 =	smul.u32 @!p0 $0xF7A, s2;
	p2 =	seq.s32 @!p0 s5, $0x0  }
0x1f: {  	s9 =	smul.u32 $0xF7A, s1;
	s8 =	simm.s32 @!p0 $0x1BF5;
	p2 =	por !p2, p0  }
0x20: {  	[sflag:s8] =	ssyncset.s32 @!p0 $0xFFFFF086;
	s6 =	sadd.s32 @!p0 s3, s7;
	s7 =	simm.s32 @!p0 $0x108  }
0x21: {  	s3 =	sadd.s32 s3, s9;
	s6 =	sadd.s32 @!p0 $0x88, s6;
	s7 =	simm.s32 @p2 $0x1082  }
0x22: {  	[simem:s7], [sflag:s8] =	dma.local @!p0 [hbm:s6], $0xF7A  }
0x23: {  	s9 =	sor.u32 $0xD0000000, s2;
	s6 =	simm.s32 $0x108;
	_ =	swait.ge @!p0 [sflag:s8], $0x0  }
0x24: {  	s3 =	sadd.s32 $0x88, s3;
	s6 =	simm.s32 @!p1 $0x1082;
	[sflag:s4] =	ssyncset.s32 $0xFFFFF086  }
0x25: {  	[simem:s6], [sflag:s4] =	dma.local [hbm:s3], $0xF7A  }
0x26: {  	[smem:$0x3F58] =	sst s1;
	(tag) =	ssettag s2;
	_ =	strace s9  }
0x27: {  	s1 =	sld [smem:$0x3F68]  }
0x28: {  	s2 =	sld [smem:$0x3F69]  }
0x29: {  	s4 =	sld [smem:$0x3F6B]  }
0x2a: {  	p0 =	seq.s32 s5, $0x0;
	s5 =	sld [smem:$0x3F6C]  }
0x2b: {  	s6 =	sld [smem:$0x3F6D]  }
0x2c: {  	s7 =	sld [smem:$0x3F6E]  }
0x2d: {  	s3 =	simm.s32 $0x108;
	s8 =	sld [smem:$0x3F6F]  }
0x2e: {  	s3 =	simm.s32 @!p0 $0x1082;
	s9 =	sld [smem:$0x3F70]  }
0x2f: {  	lr =	sadd.s32 s0, s3;
	s0 =	sld [smem:$0x3F67]  }
0x30: {  	s3 =	sld [smem:$0x3F6A]  }
0x31: {  	[smem:$0x3F73] =	sst s10  }
0x32: {  	s10 =	sld [smem:$0x3F71];
	_ =	sdelay $0x3  }
0x33: {  	p0 =	seq.s32 s10, $0x1;
	s10 =	sld [smem:$0x3F73];
	_ =	sdelay $0x3  }
0x34: {  	[smem:$0x3F73] =	sst s10  }
0x35: {  	s10 =	sld [smem:$0x3F72];
	_ =	sdelay $0x3  }
0x36: {  	p1 =	seq.s32 s10, $0x1;
	s10 =	sld [smem:$0x3F73];
	_ =	sdelay $0x3  }
0x37: {  	[smem:$0x3F73] =	sst s10  }
0x38: {  	s10 =	sld [smem:$0x3F74]  }
0x39: {  	_ = 	snop;
	(pc) =	sbr.ind lr, $3  }
0x3a: {  	_ = 	snop  }
0x3b: {  	_ = 	snop  }
0x3c: {  	p2 =	seq.s32 s10, $0x1;
	s10 =	sld [smem:$0x3F73]  }
0x3d: {  	_ =	shalt  }
0x3e: {  	_ =	shalt  }
0x3f: {  	_ =	shalt  }
0x40: {  	_ =	shalt  }
0x41: {  	_ =	shalt  }
0x42: {  	_ =	shalt  }
0x43: {  	_ =	shalt  }
0x44: {  	_ =	shalt  }
0x45: {  	_ =	shalt  }
0x46: {  	_ =	shalt  }
0x47: {  	_ =	shalt  }
0x48: {  	_ =	shalt  }
0x49: {  	_ =	shalt  }
0x4a: {  	_ =	shalt  }
0x4b: {  	_ =	shalt  }
0x4c: {  	_ =	shalt  }
0x4d: {  	_ =	shalt  }
0x4e: {  	_ =	shalt  }
0x4f: {  	_ =	shalt  }
0x50: {  	_ =	shalt  }
0x51: {  	_ =	shalt  }
0x52: {  	_ =	shalt  }
0x53: {  	_ =	shalt  }
0x54: {  	_ =	shalt  }
0x55: {  	_ =	shalt  }
0x56: {  	_ =	shalt  }
0x57: {  	_ =	shalt  }
0x58: {  	_ =	shalt  }
0x59: {  	_ =	shalt  }
0x5a: {  	_ =	shalt  }
0x5b: {  	_ =	shalt  }
0x5c: {  	_ =	shalt  }
0x5d: {  	_ =	shalt  }
0x5e: {  	_ =	shalt  }
0x5f: {  	_ =	shalt  }
0x60: {  	_ =	shalt  }
0x61: {  	_ =	shalt  }
0x62: {  	_ =	shalt  }
0x63: {  	_ =	shalt  }
0x64: {  	_ =	shalt  }
0x65: {  	_ =	shalt  }
0x66: {  	_ =	shalt  }
0x67: {  	_ =	shalt  }
0x68: {  	_ =	shalt  }
0x69: {  	_ =	shalt  }
0x6a: {  	_ =	shalt  }
0x6b: {  	_ =	shalt  }
0x6c: {  	_ =	shalt  }
0x6d: {  	_ =	shalt  }
0x6e: {  	_ =	shalt  }
0x6f: {  	_ =	shalt  }
0x70: {  	_ =	shalt  }
0x71: {  	_ =	shalt  }
0x72: {  	_ =	shalt  }
0x73: {  	_ =	shalt  }
0x74: {  	_ =	shalt  }
0x75: {  	_ =	shalt  }
0x76: {  	_ =	shalt  }
0x77: {  	_ =	shalt  }
0x78: {  	_ =	shalt  }
0x79: {  	_ =	shalt  }
0x7a: {  	_ =	shalt  }
0x7b: {  	_ =	shalt  }
0x7c: {  	_ =	shalt  }
0x7d: {  	_ =	shalt  }
0x7e: {  	_ =	shalt  }
0x7f: {  	_ =	shalt  }
0x80: {  	_ =	shalt  }
0x81: {  	_ =	shalt  }
0x82: {  	_ =	shalt  }
0x83: {  	_ =	shalt  }
0x84: {  	_ =	shalt  }
0x85: {  	_ =	shalt  }
0x86: {  	_ =	shalt  }
0x87: {  	_ =	shalt  }
.Lfunc_end0:
.L_simem_size_0:
called_computation.3_lowered:
.L_overlay_start_0:
0x88: {  	s0 =	sld [smem:$0x3FD9]  }
0x89: {  	s1 =	sld [smem:$0x3FFE];
	_ =	sdelay $0x3  }
0x8a: {  	s0 =	sadd.s32 s1, s0  }
0x8b: {  	[smem:$0x3F7F] =	sst s0  }
0x8c: {  	_ = 	snop  }
0x8d: {  	(tm) =	ssettm $0x1  }
0x8e: {  	s15 =	sld [smem:$0x3FFB];
	_ =	sdelay $0x3  }
0x8f: {  	_ =	strace s15  }
0x90: {  	s0 =	sld [smem:$0x3FFC];
	_ =	sdelay $0x3  }
0x91: {  	_ =	strace s0  }
0x92: {  	s0 =	sld [smem:$0x3FFD];
	_ =	sdelay $0x3  }
0x93: {  	_ =	strace s0  }
0x94: {  	_ =	strace $0x8FFFFFFF  }
0x95: {  	s16 =	sld [smem:$0x3FDB];
	_ =	sdelay $0x1  }
0x96: {  	s17 =	simm.s32 $_scs_section_size  }
0x97: {  	s2 =	simm.s32 $_size__tile_overlayer_lowered;
	s3 =	simm.s32 $_tile_overlayer_lowered  }
0x98: {  	s20 =	simm.s32 $0x1BFF;
	s19 =	sshll.u32 s3, $0x1;
	s0 =	sadd.s32 s17, s16  }
0x99: {  	s4 =	simm.s32 $0x0;
	s18 =	sshll.u32 s2, $0x1;
	s2 =	sadd.s32 s19, s0  }
0x9a: {  	[timem:s4], [sflag:s20] =	dma.local [hbm:s2], s18  }
0x9b: {  	_ =	swait.ge [sflag:s20], s18  }
0x9c: {  	s1 =	ssub.s32 $0x0, s18;
	[sflag:s20] =	ssyncset.done $0x0  }
0x9d: {  	[sflag:s20] =	ssyncadd.s32 s1;
	_ =	sdelay $0x1  }
0x9e: {  	s21 =	simm.s32 $0x1B8B  }
0x9f: {  	_ =	swait.ge [sflag:s21], $0x1  }
0xa0: {  	[sflag:s21] =	ssyncset.done $0x0  }
0xa1: {  	s23 =	simm.s32 $0x1B8E;
	s22 =	sld [smem:$0x3FFE];
	[sflag:s21] =	ssyncadd.s32 $0xFFFFFFFF  }
0xa2: {  	s24 =	simm.s32 $execute0_lowered;
	[smem:$0x3FD2] =	sst s23  }
0xa3: {  	s2 =	sshll.u32 s24, $0x1;
	_ =	strace $0x80000046;
	[dreg:$0x1] =	wrdreg $0xFFFFFFFF  }
0xa4: {  	s25 =	simm.s32 $_size_execute0_lowered;
	s0 =	sadd.s32 s0, s2;
	[dreg:$0x0] =	wrdreg $0x0  }
0xa5: {  	s2 =	sshll.u32 s25, $0x1;
	[dreg:$0x2] =	wrdreg s0  }
0xa6: {  	[dreg:$0x3] =	wrdreg s2  }
0xa7: {  	[dreg:$0x4] =	wrdreg $0xC0  }
0xa8: {  	_ =	task [dreg:s4], $0x5FFFF  }
0xa9: {  	[dreg:$0x1] =	wrdreg $0xFFFFFFFF  }
0xaa: {  	[dreg:$0x0] =	wrdreg $0x60  }
0xab: {  	[dreg:$0x2] =	wrdreg s22  }
0xac: {  	[dreg:$0x3] =	wrdreg $0x9  }
0xad: {  	_ =	task.clear_ibuf [dreg:s4], $0x4FFFF;
	_ =	strace $0x90000046  }
0xae: {  	s26 =	simm.s32 $0x9;
	_ =	strace $0x80000048  }
0xaf: {  	_ =	swait.ge [sflag:s26], $0x1  }
0xb0: {  	[sflag:s26] =	ssyncadd.s32 $0xFFFFFFFF  }
0xb1: {  	_ =	strace $0x90000048  }
0xb2: {  	_ =	sfence  }
0xb3: {  	s28 =	sld [smem:$0x0];
	_ =	sdelay $0x1  }
0xb4: {  	s29 =	srdreg.scid  }
0xb5: {  	s30 =	sshll.u32 s29, $0xD;
	s31 =	sshrl.u32 s29, $0x2  }
0xb6: {  	s1 =	sand.u32 $0x1, s29;
	s2 =	sand.u32 $0x4000, s30;
	s0 =	sadd.s32 s31, s28  }
0xb7: {  	s1 =	sor.u32 s2, s1;
	s0 =	sshll.u32 s0, $0x11  }
0xb8: {  	s0 =	sor.u32 s0, s1  }
0xb9: {  	s0 =	sadd.s32 $0x8F2B, s0  }
0xba: {  	[sflag:s0] =	ssyncadd.remote.s32 $0x1  }
0xbb: {  	_ =	sfence.sel $0xFFFF  }
0xbc: {  	[dreg:$0x0] =	wrdreg $0xFFFFFFFF;
	(pc) =	sbr.abs _section_cstart, $3  }
0xbd: {  	[dreg:$0x1] =	wrdreg $0xFFFFFFFF  }
0xbe: {  	_ =	task.clear_ibuf [dreg:s4], $0x2FFFF;
	_ =	strace $0x9FFFFFFF  }
0xbf: {  	(tm) =	ssettm $0x7FFFFFFF  }
tec
execute0_lowered:
.L_overlay_start_1:
0x0: {  	(tag) =	ssettag $0x1  }
0x1: {  	s0 =	stileid.u32  }
0x2: {  	s1 =	smul.u32 $0x33, s0  }
0x3: {  	s2 =	smin.u32 s0, $0xD  }
0x4: {  	s4 =	simm.s32 $0x1A0;
	p0 =	slt.u32 s0, $0xD;
	s1 =	sadd.s32 s2, s1  }
0x5: {  	s3 =	rddreg [dreg:$0x0];
	s4 =	simm.s32 @!p0 $0x198;
	s2 =	sshll.u32 s1, $0x3  }
0x6: {  	s7 =	simm.s32 $0x1;
	s31 =	simm.s32 $0x2;
	s4 =	sadd.s32 s4, s2  }
0x7: {  	s8 =	simm.s32 $0x3;
	s12 =	simm.s32 $0x0;
	s4 =	smin.u32 s4, $0x19E8  }
0x8: {  	s9 =	simm.s32 $0x0;
	s10 =	simm.s32 $0x0;
	s6 =	ssub.s32 s4, s2  }
0x9: {  	s1 =	rddreg [dreg:$0x1];
	_ =	strace $0x80000047;
	p0 =	sgt.s32 s6, $0x0  }
0xa: {  	s5 =	sadd.s32 $0x1CE00, s3;
	[sflag:s7] =	ssyncpa.u1 $0x0;
	s6 =	simm.s32 @!p0 $0x0  }
0xb: {  	s7 =	sadd.s32 $0x24A00, s3;
	[sflag:s31] =	ssyncpa.u1 $0x0;
	s6 =	sshrl.u32 s6, $0x3  }
0xc: {  	s11 =	smov.u32 s2;
	[sflag:s8] =	ssyncpa.u1 $0x0;
	s8 =	sadd.s32 $0x1, s6  }
.LBB2_1:
0xd: {  	p0 =	sge.u32 s10, s6  }
0xe: {  	s31 =	sadd.s32 $0xFFFFFFFF, s10;
	s13 =	sxor.u32 @!p0 $0xFFFFFFFF, s9;
	s14 =	sshrl.u32 @!p0 s11, $0x3  }
0xf: {  	s15 =	sand.u32 @!p0 $0x7, s11;
	s13 =	sand.u32 @!p0 $0x8, s13;
	s14 =	sadd.s32 @!p0 s5, s14  }
0x10: {  	[tilespmem:s13], [sflag:$0x2] =	stream.linear.gather @!p0 [hbm4b:s14+s15], $0x8, $0x38;
	[tilespmem:$0x810] =	vst v63  }
0x11: {  	p0 =	sge.u32 s31, s6  }
0x12: {  	s13 =	simm.s32 @!p0 $0x2  }
0x13: {  	_ =	swait.ge @!p0 [sflag:s13], $0x8  }
0x14: {  	s14 =	sand.u32 @!p0 $0x1, s10;
	[sflag:s13] =	ssyncset.done @!p0 $0x0  }
0x15: {  	[sflag:s13] =	ssyncadd.s32 @!p0 $0xFFFFFFF8;
	s13 =	sshll.u32 @!p0 s14, $0x3  }
0x16: {  	v0 =	vld.msk @!p0 [tilespmem:s13+$0x0 ss:$0x1], $0xff;
	_ =	sdelay $0x4  }
0x17: {  	vm0 =	veq.s32 @!p0 v0, $0x80000000;
	v1 =	vand.u32 @!p0 $0x3, v0;
	v0 =	vshll.u32 @!p0 v0, $0x7  }
0x18: {  	v1 =	vsel @!p0 vm0, $0xFFFFFFFF, v1;
	v0 =	vand.u32 @!p0 $0xFFE00, v0  }
0x19: {  	v0 =	vsel @!p0 vm0, $0xFFFFFE00, v0;
	v2 =	vand.u32 @!p0 $0xFFFFFE00, v1;
	v1 =	vshll.u32 @!p0 v1, $0x7  }
0x1a: {  	v0 =	vadd.s32 @!p0 v2, v0;
	v1 =	vand.u32 @!p0 $0x180, v1  }
0x1b: {  	v0 =	vor.u32 @!p0 v1, v0  }
0x1c: {  	v0 =	vshrl.u32 @!p0 v0, $0x3;
	_ =	sdelay $0x2  }
0x1d: {  	s13 =	sshll.u32 @!p0 s14, $0xA  }
0x1e: {  	s14 =	simm.s32 @!p0 $0x1;
	s13 =	sor.u32 @!p0 $0x10, s13;
	vm0 =	vmmov @!p0 $0xff  }
0x1f: {  	[tilespmem:s13], [sflag:$0x1] =	stream.indirect_vreg.gather @!p0 [hbm:s3], $0x80, v0, vm0, $0x38;
	[tilespmem:$0x810] =	vst v63  }
0x20: {  	_ =	swait.ge @!p0 [sflag:s14], $0x400  }
0x21: {  	s12 =	sshll.u32 @!p0 s12, $0x4;
	[sflag:s14] =	ssyncset.done @!p0 $0x0  }
0x22: {  	s12 =	sadd.s32 @!p0 s7, s12;
	[sflag:s14] =	ssyncadd.s32 @!p0 $0xFFFFFC00  }
0x23: {  	[hbm:s12] =	stream.linear.scatter @!p0 [tilespmem:s13], [sflag:$0x3], $0x400, $0x38;
	[tilespmem:$0x810] =	vst v63  }
0x24: {  	s12 =	sadd.s32 $0x8, s11  }
0x25: {  	s14 =	smov.u32 s2;
	p1 =	slt.s32 s12, s4  }
0x26: {  	s14 =	smov.u32 @p1 s12;
	p1 =	sne.s32 s10, s8  }
.Ltmp0:
0x27: {  	p0 =	slt.u32 s10, $0x2;
	(pc) =	sbr.rel @p1 .LBB2_1-.Ltmp0, $4  }
0x28: {  	s13 =	simm.s32 @!p0 $0x3  }
0x29: {  	_ =	swait.ge @!p0 [sflag:s13], $0x400  }
0x2a: {  	s9 =	sadd.s32 $0x8, s9;
	s12 =	smov.u32 s11;
	[sflag:s13] =	ssyncset.done @!p0 $0x0  }
0x2b: {  	s10 =	sadd.s32 $0x1, s10;
	s11 =	smov.u32 s14;
	[sflag:s13] =	ssyncadd.s32 @!p0 $0xFFFFFC00  }
0x2c: {  	_ =	sfence.sel $0x180000  }
0x2d: {  	s2 =	simm.s32 $0x2;
	[bflag:$0x0] =	sbarrier.arrive $0xFFFF  }
0x2e: {  	s30 =	simm.s32 $0x3;
	[sflag:s2] =	ssyncpa.u1 $0x1  }
0x2f: {  	s31 =	simm.s32 $0x1;
	[sflag:s30] =	ssyncpa.u1 $0x1  }
0x30: {  	[sflag:s31] =	ssyncpa.u1 $0x1  }
0x31: {  	p0 =	sne.s32 s0, $0x0;
	_ =	strace $0x90000047  }
0x32: {  	s0 =	sadd.s32 @!p0 $0x100000, s1;
	[bflag:$0x2] =	sbarrier.arrive $0xFFFF  }
0x33: {  	[sflag:s0] =	ssyncadd.tile.s32 @!p0 $0x1;
	_ =	shalt  }
.Lfunc_end2:
_tile_overlayer_lowered:
.L_overlay_start_2:
0x34: {  	(tag) =	ssettag $0x2  }
0x35: {  	s0 =	rddreg [dreg:$0x0];
	s2 =	stileid.u32  }
0x36: {  	s1 =	rddreg [dreg:$0x1];
	p0 =	sne.s32 s2, $0x0  }
0x37: {  	s3 =	rddreg [dreg:$0x2];
	[bflag:$0x3] =	sbarrier.arrive $0xFFFF;
	s2 =	simm.s32 @!p0 $0x1C01  }
0x38: {  	[timem:s3], [sflag:s2] =	dma.local @!p0 [hbm:s0], s1  }
0x39: {  	s0 =	simm.s32 @!p0 $0x1  }
0x3a: {  	_ =	swait.ge @!p0 [sflag:s0], s1  }
0x3b: {  	s1 =	ssub.s32 @!p0 $0x0, s1;
	[sflag:s0] =	ssyncset.done @!p0 $0x0  }
0x3c: {  	[sflag:s0] =	ssyncadd.s32 @!p0 s1  }
0x3d: {  	[bflag:$0x3] =	sbarrier.arrive $0xFFFF  }
0x3e: {  	_ =	shalt  }

// kernel: sparse-core-data-format-call.1.cloned.1.call-start
scs
called_computation.1_lowered:
.L_overlay_start_0:
0x0: {  	s2 =	sld [smem:$0x3FD9]  }
0x1: {  	s3 =	sld [smem:$0x3FFE];
	_ =	sdelay $0x1  }
0x2: {  	s1 =	srdreg.scid  }
0x3: {  	s0 =	sand.u32 $0x1, s1  }
0x4: {  	s18 =	sshll.u32 s0, $0xA;
	s2 =	sadd.s32 s3, s2  }
0x5: {  	s2 =	sadd.s32 s2, s18  }
0x6: {  	[smem:$0x3F7F] =	sst s2  }
0x7: {  	_ = 	snop  }
0x8: {  	(tm) =	ssettm $0x1  }
0x9: {  	s19 =	sld [smem:$0x3FFB];
	_ =	sdelay $0x3  }
0xa: {  	_ =	strace s19  }
0xb: {  	s2 =	sld [smem:$0x3FFC];
	_ =	sdelay $0x3  }
0xc: {  	_ =	strace s2  }
0xd: {  	s2 =	sld [smem:$0x3FFD];
	_ =	sdelay $0x3  }
0xe: {  	_ =	strace s2  }
0xf: {  	_ =	strace $0x8FFFFFFF  }
0x10: {  	s20 =	sld [smem:$0x3FDB];
	_ =	sdelay $0x1  }
0x11: {  	s21 =	simm.s32 $_scs_section_size  }
0x12: {  	s4 =	simm.s32 $_size__tile_overlayer_lowered;
	s5 =	simm.s32 $_tile_overlayer_lowered  }
0x13: {  	s6 =	simm.s32 $0x1BFF;
	s22 =	sshll.u32 s5, $0x1;
	s3 =	sadd.s32 s21, s20  }
0x14: {  	s23 =	simm.s32 $0x0;
	s4 =	sshll.u32 s4, $0x1;
	s5 =	sadd.s32 s22, s3  }
0x15: {  	[timem:s23], [sflag:s6] =	dma.local [hbm:s5], s4  }
0x16: {  	_ =	swait.ge [sflag:s6], s4  }
0x17: {  	s4 =	ssub.s32 $0x0, s4;
	[sflag:s6] =	ssyncset.done $0x0  }
0x18: {  	[sflag:s6] =	ssyncadd.s32 s4;
	_ =	sdelay $0x1  }
0x19: {  	s24 =	simm.s32 $0x1B8B  }
0x1a: {  	_ =	swait.ge [sflag:s24], $0x1  }
0x1b: {  	[sflag:s24] =	ssyncset.done $0x0  }
0x1c: {  	[sflag:s24] =	ssyncadd.s32 $0xFFFFFFFF  }
0x1d: {  	s4 =	sld [smem:$0x0]  }
0x1e: {  	s5 =	sand.u32 $0xFFFFFFFE, s1  }
0x1f: {  	p0 =	sne.s32 s1, s5  }
0x20: {  	s5 =	sshll.u32 @p0 s5, $0xE  }
0x21: {  	s5 =	sadd.s32 @p0 $0x11B8D, s5;
	s6 =	sshll.u32 @p0 s4, $0x11  }
0x22: {  	s5 =	sor.u32 @p0 s6, s5  }
0x23: {  	[sflag:s5] =	ssyncadd.remote.s32 @p0 $0x1;
	_ =	sdelay $0x1  }
0x24: {  	s5 =	simm.s32 @p0 $0x1B8D  }
0x25: {  	_ =	swait.eq @p0 [sflag:s5], $0x1  }
0x26: {  	[sflag:s5] =	ssyncadd.s32 @p0 $0xFFFFFFFF  }
0x27: {  	s6 =	sshll.u32 @!p0 s1, $0xE  }
0x28: {  	s6 =	sor.u32 @!p0 $0x4000, s6;
	s5 =	simm.s32 @!p0 $0x1B8D  }
0x29: {  	s4 =	sshll.u32 @!p0 s4, $0x11;
	s6 =	sadd.s32 @!p0 $0x11B8D, s6;
	_ =	swait.eq @!p0 [sflag:s5], $0x1  }
0x2a: {  	s4 =	sor.u32 @!p0 s4, s6;
	[sflag:s5] =	ssyncadd.s32 @!p0 $0xFFFFFFFF  }
0x2b: {  	s26 =	simm.s32 $0x1B8E;
	s25 =	sld [smem:$0x3FFE];
	[sflag:s4] =	ssyncadd.remote.s32 @!p0 $0x1  }
0x2c: {  	s27 =	simm.s32 $execute0_lowered;
	[smem:$0x3FD2] =	sst s26  }
0x2d: {  	s5 =	sshll.u32 s27, $0x1;
	_ =	strace $0x80000055;
	[dreg:$0x1] =	wrdreg $0xFFFFFFFF  }
0x2e: {  	s28 =	simm.s32 $_size_execute0_lowered;
	s3 =	sadd.s32 s3, s5;
	[dreg:$0x0] =	wrdreg $0x0  }
0x2f: {  	s5 =	sshll.u32 s28, $0x1;
	[dreg:$0x2] =	wrdreg s3  }
0x30: {  	[dreg:$0x3] =	wrdreg s5  }
0x31: {  	[dreg:$0x4] =	wrdreg $0xC0  }
0x32: {  	_ =	task [dreg:s23], $0x5FFFF  }
0x33: {  	[dreg:$0x1] =	wrdreg $0xFFFFFFFF  }
0x34: {  	[dreg:$0x0] =	wrdreg $0x60  }
0x35: {  	[dreg:$0x2] =	wrdreg s25  }
0x36: {  	[dreg:$0x3] =	wrdreg $0x9  }
0x37: {  	_ =	task.clear_ibuf [dreg:s23], $0x4FFFF;
	_ =	strace $0x90000055  }
0x38: {  	s29 =	simm.s32 $0x9;
	_ =	strace $0x80000057  }
0x39: {  	_ =	swait.ge [sflag:s29], $0x1  }
0x3a: {  	[sflag:s29] =	ssyncadd.s32 $0xFFFFFFFF  }
0x3b: {  	_ =	strace $0x90000057  }
0x3c: {  	_ =	sfence  }
0x3d: {  	s30 =	sld [smem:$0x0];
	_ =	sdelay $0x2  }
0x3e: {  	s31 =	sshll.u32 s1, $0xD;
	s1 =	sshrl.u32 s1, $0x2  }
0x3f: {  	s4 =	sand.u32 $0x4000, s31;
	s1 =	sadd.s32 s1, s30  }
0x40: {  	s0 =	sor.u32 s4, s0;
	s1 =	sshll.u32 s1, $0x11  }
0x41: {  	s0 =	sor.u32 s1, s0  }
0x42: {  	s0 =	sadd.s32 $0x8F2B, s0  }
0x43: {  	[sflag:s0] =	ssyncadd.remote.s32 $0x1  }
0x44: {  	_ =	sfence.sel $0xFFFF  }
0x45: {  	[dreg:$0x0] =	wrdreg $0xFFFFFFFF;
	(pc) =	sbr.abs _section_cstart, $3  }
0x46: {  	[dreg:$0x1] =	wrdreg $0xFFFFFFFF  }
0x47: {  	_ =	task.clear_ibuf [dreg:s23], $0x2FFFF;
	_ =	strace $0x9FFFFFFF  }
0x48: {  	(tm) =	ssettm $0x7FFFFFFF  }
0x49: {  	_ =	shalt  }
tec
execute0_lowered:
.L_overlay_start_1:
0x0: {  	(tag) =	ssettag $0x1  }
0x1: {  	s0 =	stileid.u32  }
0x2: {  	s1 =	srdreg.scid;
	s8 =	rddreg [dreg:$0x0];
	_ =	strace $0x80000056  }
0x3: {  	s4 =	simm.s32 $0x1;
	s7 =	simm.s32 $0x2;
	s22 =	simm.s32 $0x0  }
0x4: {  	p0 =	por $0x0, $0x0;
	s10 =	simm.s32 $0xA00;
	s20 =	simm.s32 $0x0  }
0x5: {  	s21 =	simm.s32 $0x0;
	s23 =	simm.s32 $0x0;
	s11 =	simm.s32 $0x0  }
0x6: {  	s12 =	simm.s32 $0x0;
	s2 =	sshll.u32 s0, $0x5;
	s1 =	sshll.u32 s1, $0x9  }
0x7: {  	s13 =	simm.s32 $0x0;
	s14 =	simm.s32 $0x0;
	s1 =	sor.u32 s2, s1  }
0x8: {  	s16 =	simm.s32 $0x0;
	s17 =	simm.s32 $0x0;
	s2 =	sand.u32 $0x380, s1  }
.Ltmp0:
0x9: {  	s19 =	simm.s32 $0x0;
	s3 =	ssub.s32 $0x600, s2;
	(pc) =	sbr.rel .LBB1_1-.Ltmp0, $4  }
0xa: {  	[sflag:s4] =	ssyncpa.u1 $0x0;
	s6 =	sand.u32 $0x3, s0;
	s5 =	sshrl.u32 s3, $0xA  }
0xb: {  	[sflag:s7] =	ssyncpa.u1 $0x0;
	s18 =	smov.u32 s6;
	s9 =	smul.u32 $0x3C, s5  }
0xc: {  	s15 =	smov.u32 s2;
	s3 =	sadd.s32 $0x3D9000, s8;
	s5 =	sadd.s32 $0xCD000, s8  }
0xd: {  	s8 =	sadd.s32 $0x3DB700, s8;
	s7 =	sadd.s32 $0x3C, s9;
	s9 =	sadd.s32 $0x3D, s9  }
.LBB1_5:
0xe: {  	p1 =	slt.u32 s19, $0x2  }
0xf: {  	s1 =	smov.u32 s23;
	p2 =	sgt.s32 @!p1 s23, $0x3  }
0x10: {  	s25 =	smov.u32 s16;
	s24 =	sshra.s32 @!p1 s23, $0x1F;
	p2 =	por !p2, p1  }
0x11: {  	s26 =	smov.u32 s17;
	s23 =	sand.u32 @!p1 s24, s23;
	s1 =	simm.s32 @p2 $0x3  }
0x12: {  	s27 =	smov.u32 s18;
	p3 =	sgt.s32 @!p1 s22, $0x5FA;
	s1 =	ssub.s32 @!p1 s1, s23  }
0x13: {  	p3 =	por !p3, p1;
	s24 =	sshra.s32 @!p1 s22, $0x1F;
	s23 =	sadd.s32 @!p1 $0xFFFFFFFD, s1  }
0x14: {  	s1 =	ssub.s32 @!p1 $0x4, s1;
	p2 =	sgt.s32 @!p1 s23, $0x0;
	s23 =	smov.u32 s22  }
0x15: {  	s22 =	sand.u32 @!p1 s24, s22;
	s24 =	sshra.s32 @!p1 s21, $0x1F;
	s23 =	simm.s32 @p3 $0x5FA  }
0x16: {  	p2 =	por !p2, p1;
	p3 =	sgt.s32 @!p1 s21, $0x26;
	s22 =	ssub.s32 @!p1 s23, s22  }
0x17: {  	p3 =	por !p3, p1;
	s23 =	smov.u32 s21;
	s21 =	sand.u32 @!p1 s24, s21  }
0x18: {  	s24 =	sshra.s32 @!p1 s20, $0x1F;
	s23 =	simm.s32 @p3 $0x26;
	p3 =	sgt.s32 @!p1 s20, $0x60  }
0x19: {  	s21 =	ssub.s32 @!p1 s23, s21;
	p3 =	por !p3, p1;
	s23 =	smov.u32 s20  }
0x1a: {  	s20 =	sand.u32 @!p1 s24, s20;
	s24 =	sadd.s32 @!p1 $0xFFFFFFDA, s21;
	s23 =	simm.s32 @p3 $0x60  }
0x1b: {  	s1 =	simm.s32 @!p2 $0x0;
	p2 =	sgt.s32 @!p1 s24, $0x1;
	s20 =	ssub.s32 @!p1 s23, s20  }
0x1c: {  	s21 =	ssub.s32 @!p1 $0x28, s21;
	p2 =	por !p2, p1;
	s23 =	sadd.s32 @!p1 $0xFFFFFFA0, s20  }
0x1d: {  	s24 =	sadd.s32 @!p1 $0xFFFFFA06, s22;
	s21 =	simm.s32 @!p2 $0x0;
	p2 =	sgt.s32 @!p1 s23, $0x1F  }
0x1e: {  	s20 =	ssub.s32 @!p1 $0x80, s20;
	p2 =	por !p2, p1;
	s1 =	smul.u32 @!p1 s1, s21  }
0x1f: {  	p3 =	sgt.s32 @!p1 s24, $0x7F;
	s24 =	sadd.s32 $0x400, s15;
	s20 =	simm.s32 @!p2 $0x0  }
0x20: {  	s21 =	ssub.s32 @!p1 $0x67A, s22;
	p2 =	por !p3, p1;
	s1 =	smul.u32 @!p1 s20, s1  }
0x21: {  	s21 =	simm.s32 @!p2 $0x0;
	p2 =	sgt.s32 s24, $0x679;
	s20 =	sadd.s32 $0x20, s16  }
0x22: {  	p0 =	por !p0, !p0;
	s28 =	simm.s32 @!p1 $0x2;
	s25 =	smov.u32 @p2 s20  }
0x23: {  	s23 =	smov.u32 s14;
	s20 =	sadd.s32 $0x2, s17;
	p3 =	sgt.s32 s25, $0x5B  }
0x24: {  	s14 =	smov.u32 s18;
	s22 =	smov.u32 s11;
	s26 =	smov.u32 @p3 s20  }
0x25: {  	s24 =	smov.u32 @p2 s2;
	s20 =	sadd.s32 $0x4, s18;
	p2 =	sgt.s32 s26, $0x27  }
0x26: {  	s11 =	smov.u32 s15;
	s1 =	smul.u32 @!p1 s21, s1;
	s27 =	smov.u32 @p2 s20  }
0x27: {  	s21 =	smov.u32 s13;
	s26 =	simm.s32 @p2 $0x0;
	p2 =	sgt.s32 s27, $0x3  }
0x28: {  	s13 =	smov.u32 s17;
	s27 =	smov.u32 @p2 s6;
	p2 =	sne.s32 s19, s9  }
.Ltmp1:
0x29: {  	s15 =	smov.u32 s24;
	s1 =	sshrl.u32 @!p1 s1, $0x1;
	(pc) =	sbr.rel @!p2 .LBB1_6-.Ltmp1, $4  }
0x2a: {  	s25 =	simm.s32 @p3 $0x0;
	s1 =	sand.u32 @!p1 $0x3FFFFFFF, s1;
	s20 =	smov.u32 s12  }
0x2b: {  	s12 =	smov.u32 s16;
	s16 =	smov.u32 s25;
	_ =	swait.ge @!p1 [sflag:s28], s1  }
0x2c: {  	s1 =	ssub.s32 @!p1 $0x0, s1;
	s17 =	smov.u32 s26;
	[sflag:s28] =	ssyncset.done @!p1 $0x0  }
0x2d: {  	s19 =	sadd.s32 $0x1, s19;
	[sflag:s28] =	ssyncadd.s32 @!p1 s1;
	s18 =	smov.u32 s27  }
.LBB1_1:
0x2e: {  	p1 =	sge.u32 s19, s7  }
0x2f: {  	s24 =	sshrl.u32 @!p1 s16, $0x3  }
0x30: {  	s25 =	sshll.u32 @!p1 s15, $0x3;
	s24 =	smul.u32 @!p1 $0x3400, s24  }
0x31: {  	s26 =	sshll.u32 @!p1 s16, $0x7;
	s25 =	sand.u32 @!p1 $0xFFFFFC00, s25  }
0x32: {  	s24 =	sadd.s32 @!p1 s24, s25;
	s25 =	sand.u32 @!p1 $0x300, s26;
	s26 =	sshll.u32 @!p1 s15, $0x1  }
0x33: {  	s24 =	sor.u32 @!p1 s25, s24;
	s25 =	sand.u32 @!p1 $0xFE, s26  }
0x34: {  	s26 =	sand.u32 @!p1 $0x1, s16;
	s24 =	sor.u32 @!p1 s25, s24  }
0x35: {  	s25 =	sor.u32 @!p1 s26, s24;
	s24 =	smulhi.u32 @!p1 $0x4EC4EC4F, s24;
	_ =	sdelay $0x1  }
0x36: {  	s26 =	smulhi.u32 @!p1 $0x4EC4EC4F, s25;
	s24 =	sshrl.u32 @!p1 s24, $0x9  }
0x37: {  	s27 =	smulhi.u32 @!p1 $0x2AAAAAB, s24  }
0x38: {  	s28 =	smul.u32 @!p1 $0x61800, s18  }
0x39: {  	s26 =	sshrl.u32 @!p1 s26, $0x9;
	s27 =	smul.u32 @!p1 $0x60, s27  }
0x3a: {  	s30 =	sxor.u32 @!p1 $0xFFFFFFFF, s19;
	s26 =	smul.u32 @!p1 $0x680, s26  }
0x3b: {  	s31 =	simm.s32 @!p1 $0x1A00;
	s24 =	ssub.s32 @!p1 s24, s27;
	s27 =	smul.u32 @!p1 $0x2700, s17  }
0x3c: {  	s29 =	sadd.s32 @!p1 s3, s28;
	s25 =	ssub.s32 @!p1 s25, s26;
	s24 =	smul.u32 @!p1 $0x68, s24  }
0x3d: {  	s26 =	sadd.s32 @!p1 s27, s29;
	s29 =	sshrl.u32 @!p1 s25, $0x4;
	s25 =	sshll.u32 @!p1 s25, $0x11  }
0x3e: {  	s30 =	sshll.u32 @!p1 s30, $0xC;
	s26 =	sadd.s32 @!p1 s24, s26;
	s25 =	sand.u32 @!p1 $0x1C0000, s25  }
0x3f: {  	s30 =	sand.u32 @!p1 $0x1000, s30;
	s26 =	sadd.s32 @!p1 s29, s26;
	s25 =	sor.u32 @!p1 $0x200, s25  }
0x40: {  	[tilespmem:s30], [sflag:$0x1] =	stream.strided.gather @!p1 [hbm4b:s26+s25], $0x800, s31, s25, $0x38;
	[tilespmem:$0x4100] =	vst v63  }
0x41: {  	s26 =	sadd.s32 @!p1 s28, s8  }
0x42: {  	s26 =	sadd.s32 @!p1 s27, s26  }
0x43: {  	s24 =	sadd.s32 @!p1 s24, s26  }
0x44: {  	s26 =	sor.u32 @!p1 $0x800, s30;
	s24 =	sadd.s32 @!p1 s29, s24  }
0x45: {  	[tilespmem:s26], [sflag:$0x1] =	stream.strided.gather @!p1 [hbm4b:s24+s25], $0x800, s31, s25, $0x38;
	[tilespmem:$0x4100] =	vst v63  }
0x46: {  	p1 =	seq.s32 s19, $0x0  }
0x47: {  	p2 =	sge.u32 @!p1 s19, s9  }
0x48: {  	p1 =	por p1, p2  }
.Ltmp2:
0x49: {  	_ = 	snop;
	(pc) =	sbr.rel @p1 .LBB1_5-.Ltmp2, $1  }
0x4a: {  	_ =	sdelay $0x3  }
0x4b: {  	s24 =	simm.s32 $0x1  }
0x4c: {  	_ =	swait.ge [sflag:s4], $0x1000;
	s24 =	simm.s32 @!p0 $0x0  }
0x4d: {  	[sflag:s4] =	ssyncset.done $0x0;
	s25 =	sshll.u32 s24, $0xC  }
0x4e: {  	[sflag:s4] =	ssyncadd.s32 $0xFFFFF000;
	s26 =	sor.u32 $0x800, s25  }
0x4f: {  	v0 =	vld [tilespmem:s26+$0xFFFFF870]  }
0x50: {  	v1 =	vld [tilespmem:s26+$0x70]  }
0x51: {  	v2 =	vld [tilespmem:s26+$0x0]  }
0x52: {  	v5 =	vld [tilespmem:s26+$0xFFFFF820]  }
0x53: {  	v6 =	vld [tilespmem:s26+$0x20]  }
0x54: {  	v3 =	vld [tilespmem:s26+$0xFFFFF810]  }
0x55: {  	v4 =	vld [tilespmem:s26+$0x10]  }
0x56: {  	s24 =	smul.u32 $0x4200, s24;
	v7 =	vunpack.i.l.s16.s32 v0;
	v8 =	vunpack.i.l.s16.s32 v1  }
0x57: {  	v9 =	vld [tilespmem:s26+$0xFFFFF830];
	v10 =	vunpack.i.u.s16.s32 v0;
	v11 =	vunpack.i.u.s16.s32 v1;
	v0 =	vunpack.i.u.s16.s32 v2  }
0x58: {  	s24 =	sshrl.u32 s24, $0x2;
	v1 =	vunpack.i.l.s16.s32 v2;
	v2 =	vld [tilespmem:s26+$0x30];
	v13 =	vunpack.i.l.s16.s32 v5;
	v15 =	vunpack.i.u.s16.s32 v6  }
0x59: {  	v12 =	vld [tilespmem:s26+$0xFFFFF840];
	s24 =	sor.u32 $0x2000, s24;
	v7 =	vpack.i.b32.b16 v8, v7;
	v8 =	vpack.i.b32.b16 v11, v10;
	v10 =	vunpack.i.u.s16.s32 v3  }
0x5a: {  	v14 =	vld [tilespmem:s26+$0x40];
	v3 =	vunpack.i.l.s16.s32 v3;
	v11 =	vunpack.i.u.s16.s32 v4;
	v4 =	vunpack.i.l.s16.s32 v4;
	[tilespmem:s24+$0xE70 ss:$0x21] =	vst.msk $0xffff, v7  }
0x5b: {  	s31 =	sand.u32 $0x1, s19;
	v6 =	vunpack.i.l.s16.s32 v6;
	v7 =	vunpack.i.u.s16.s32 v5;
	v3 =	vpack.i.b32.b16 v4, v3;
	v4 =	vld [tilespmem:s26+$0xFFFFF850];
	[tilespmem:s24+$0xE71 ss:$0x21] =	vst.msk $0xffff, v8  }
0x5c: {  	s25 =	smul.u32 $0x4200, s31;
	v5 =	vld [tilespmem:s26+$0x50];
	[tilespmem:s24+$0x210 ss:$0x21] =	vst.msk $0xffff, v3;
	v3 =	vpack.i.b32.b16 v11, v10;
	v8 =	vunpack.i.u.s16.s32 v9;
	v11 =	vunpack.i.l.s16.s32 v9  }
0x5d: {  	[tilespmem:s24+$0x211 ss:$0x21] =	vst.msk $0xffff, v3;
	v3 =	vpack.i.b32.b16 v6, v13;
	v9 =	vunpack.i.u.s16.s32 v2;
	v13 =	vunpack.i.l.s16.s32 v2;
	v2 =	vld [tilespmem:s26+$0xFFFFF860]  }
0x5e: {  	s27 =	simm.s32 $0x0;
	s25 =	sshrl.u32 s25, $0x2;
	v15 =	vpack.i.b32.b16 v15, v7;
	v7 =	vunpack.i.u.s16.s32 v12;
	v10 =	vunpack.i.l.s16.s32 v12;
	[tilespmem:s24+$0x420 ss:$0x21] =	vst.msk $0xffff, v3;
	v3 =	vld [tilespmem:s26+$0x60]  }
0x5f: {  	s28 =	sadd.s32 $0x80, s26;
	s25 =	sor.u32 $0x2000, s25;
	v12 =	vunpack.i.l.s16.s32 v14;
	v6 =	vld [tilespmem:s26+$0xFFFFF800];
	s26 =	smov.u32 s24;
	[tilespmem:s24+$0x421 ss:$0x21] =	vst.msk $0xffff, v15;
	v13 =	vpack.i.b32.b16 v13, v11;
	v11 =	vunpack.i.u.s16.s32 v14  }
.LBB1_3:
0x60: {  	v14 =	vld [tilespmem:s28+$0xFFFFF870];
	[tilespmem:s24+$0x630 ss:$0x21] =	vst.msk $0xffff, v13;
	v8 =	vpack.i.b32.b16 v9, v8;
	v9 =	vunpack.i.u.s16.s32 v4;
	v4 =	vunpack.i.l.s16.s32 v4  }
0x61: {  	v13 =	vld [tilespmem:s28+$0x70];
	[tilespmem:s24+$0x631 ss:$0x21] =	vst.msk $0xffff, v8;
	v8 =	vpack.i.b32.b16 v12, v10;
	v10 =	vunpack.i.u.s16.s32 v5;
	v5 =	vunpack.i.l.s16.s32 v5  }
0x62: {  	s27 =	sadd.s32 $0x2, s27;
	v7 =	vpack.i.b32.b16 v11, v7;
	v12 =	vld [tilespmem:s28+$0x0];
	[tilespmem:s24+$0x840 ss:$0x21] =	vst.msk $0xffff, v8;
	v8 =	vunpack.i.u.s16.s32 v2;
	v2 =	vunpack.i.l.s16.s32 v2  }
0x63: {  	p1 =	slt.u32 s27, $0x1E;
	v4 =	vpack.i.b32.b16 v5, v4;
	v11 =	vld [tilespmem:s28+$0xFFFFF810];
	[tilespmem:s24+$0x841 ss:$0x21] =	vst.msk $0xffff, v7;
	v5 =	vunpack.i.u.s16.s32 v3;
	v3 =	vunpack.i.l.s16.s32 v3  }
0x64: {  	v7 =	vld [tilespmem:s28+$0x10];
	v15 =	vunpack.i.u.s16.s32 v6;
	v6 =	vunpack.i.l.s16.s32 v6;
	[tilespmem:s24+$0xA50 ss:$0x21] =	vst.msk $0xffff, v4;
	v4 =	vpack.i.b32.b16 v10, v9  }
0x65: {  	v2 =	vpack.i.b32.b16 v3, v2;
	v9 =	vld [tilespmem:s28+$0xFFFFF820];
	v1 =	vpack.i.b32.b16 v1, v6;
	v0 =	vpack.i.b32.b16 v0, v15;
	[tilespmem:s24+$0xA51 ss:$0x21] =	vst.msk $0xffff, v4  }
0x66: {  	v5 =	vpack.i.b32.b16 v5, v8;
	v4 =	vunpack.i.l.s16.s32 v14;
	v3 =	vld [tilespmem:s28+$0x20];
	v6 =	vunpack.i.l.s16.s32 v13;
	[tilespmem:s24+$0x0 ss:$0x21] =	vst.msk $0xffff, v1  }
0x67: {  	v8 =	vunpack.i.u.s16.s32 v14;
	v13 =	vunpack.i.u.s16.s32 v13;
	s24 =	sadd.s32 $0x2, s24;
	v10 =	vld [tilespmem:s28+$0xFFFFF830];
	v4 =	vpack.i.b32.b16 v6, v4;
	[tilespmem:s26+$0x1 ss:$0x21] =	vst.msk $0xffff, v0  }
0x68: {  	v0 =	vunpack.i.u.s16.s32 v12;
	v1 =	vunpack.i.l.s16.s32 v12;
	v6 =	vld [tilespmem:s28+$0x30];
	[tilespmem:s24+$0xE70 ss:$0x21] =	vst.msk $0xffff, v4;
	v4 =	vpack.i.b32.b16 v13, v8  }
0x69: {  	v8 =	vunpack.i.u.s16.s32 v11;
	v11 =	vunpack.i.l.s16.s32 v11;
	v12 =	vunpack.i.u.s16.s32 v7;
	v13 =	vld [tilespmem:s28+$0xFFFFF840];
	[tilespmem:s24+$0xE71 ss:$0x21] =	vst.msk $0xffff, v4  }
0x6a: {  	v4 =	vunpack.i.l.s16.s32 v7;
	v7 =	vunpack.i.u.s16.s32 v9;
	v9 =	vunpack.i.l.s16.s32 v9;
	v14 =	vld [tilespmem:s28+$0x40];
	[tilespmem:s26+$0xC60 ss:$0x21] =	vst.msk $0xffff, v2  }
.Ltmp3:
0x6b: {  	v2 =	vpack.i.b32.b16 v4, v11;
	v11 =	vunpack.i.u.s16.s32 v3;
	v3 =	vunpack.i.l.s16.s32 v3;
	v4 =	vld [tilespmem:s28+$0xFFFFF850];
	[tilespmem:s26+$0xC61 ss:$0x21] =	vst.msk $0xffff, v5;
	s26 =	smov.u32 s24;
	(pc) =	sbr.rel @p1 .LBB1_3-.Ltmp3, $4  }
0x6c: {  	[tilespmem:s24+$0x210 ss:$0x21] =	vst.msk $0xffff, v2;
	v2 =	vpack.i.b32.b16 v12, v8;
	v8 =	vunpack.i.u.s16.s32 v10;
	v12 =	vunpack.i.l.s16.s32 v10;
	v5 =	vld [tilespmem:s28+$0x50]  }
0x6d: {  	v3 =	vpack.i.b32.b16 v3, v9;
	[tilespmem:s24+$0x211 ss:$0x21] =	vst.msk $0xffff, v2;
	v9 =	vunpack.i.u.s16.s32 v6;
	v15 =	vunpack.i.l.s16.s32 v6;
	v2 =	vld [tilespmem:s28+$0xFFFFF860]  }
0x6e: {  	v11 =	vpack.i.b32.b16 v11, v7;
	[tilespmem:s24+$0x420 ss:$0x21] =	vst.msk $0xffff, v3;
	v7 =	vunpack.i.u.s16.s32 v13;
	v10 =	vunpack.i.l.s16.s32 v13;
	v3 =	vld [tilespmem:s28+$0x60]  }
0x6f: {  	v13 =	vpack.i.b32.b16 v15, v12;
	v6 =	vld [tilespmem:s28+$0xFFFFF800];
	[tilespmem:s24+$0x421 ss:$0x21] =	vst.msk $0xffff, v11;
	v11 =	vunpack.i.u.s16.s32 v14;
	v12 =	vunpack.i.l.s16.s32 v14;
	s28 =	sadd.s32 $0x80, s28  }
0x70: {  	s27 =	sshll.u32 s13, $0x7;
	s28 =	sshll.u32 s12, $0x3  }
0x71: {  	p1 =	sgt.s32 s14, $0x3;
	s30 =	sshra.s32 s14, $0x1F;
	s31 =	sshll.u32 s12, $0x1  }
0x72: {  	p2 =	sgt.s32 s13, $0x26;
	s29 =	sand.u32 $0xFFFFFC00, s27;
	s28 =	sand.u32 $0xFFFFFC00, s28  }
0x73: {  	s27 =	sand.u32 $0x300, s27;
	s28 =	sadd.s32 s29, s28;
	s29 =	smov.u32 s14  }
0x74: {  	s30 =	sand.u32 s30, s14;
	s1 =	sand.u32 $0x80, s31;
	s29 =	simm.s32 @!p1 $0x3  }
0x75: {  	s27 =	sor.u32 s27, s28;
	s28 =	smov.u32 s13;
	s29 =	ssub.s32 s29, s30  }
0x76: {  	s27 =	sor.u32 s1, s27;
	s1 =	sshra.s32 s13, $0x1F;
	s28 =	simm.s32 @!p2 $0x26  }
0x77: {  	p2 =	sgt.s32 s12, $0x60;
	s31 =	sadd.s32 $0xFFFFFFFD, s29;
	s29 =	ssub.s32 $0x4, s29  }
0x78: {  	s30 =	sand.u32 s1, s13;
	s1 =	sshra.s32 s12, $0x1F;
	s27 =	sshrl.u32 s27, $0x7  }
0x79: {  	p1 =	sgt.s32 s31, $0x0;
	s28 =	ssub.s32 s28, s30;
	s31 =	smov.u32 s12  }
0x7a: {  	s1 =	sand.u32 s1, s12;
	s29 =	simm.s32 @p1 $0x0;
	s30 =	sadd.s32 $0xFFFFFFDA, s28  }
0x7b: {  	p1 =	sgt.s32 s11, $0x5FA;
	s31 =	simm.s32 @!p2 $0x60;
	p2 =	sgt.s32 s30, $0x1  }
0x7c: {  	s30 =	smov.u32 s11;
	s1 =	ssub.s32 s31, s1;
	s31 =	sshra.s32 s11, $0x1F  }
0x7d: {  	s28 =	ssub.s32 $0x28, s28;
	s30 =	simm.s32 @!p1 $0x5FA;
	s31 =	sand.u32 s31, s11  }
0x7e: {  	s28 =	simm.s32 @p2 $0x0;
	s30 =	ssub.s32 s30, s31;
	s31 =	sadd.s32 $0xFFFFFFA0, s1  }
0x7f: {  	s1 =	ssub.s32 $0x80, s1;
	s28 =	smul.u32 s29, s28;
	p1 =	sgt.s32 s31, $0x1F  }
0x80: {  	[tilespmem:s24+$0x630 ss:$0x21] =	vst.msk $0xffff, v13;
	v8 =	vpack.i.b32.b16 v9, v8;
	s29 =	smulhi.u32 $0x6666667, s27;
	s31 =	sadd.s32 $0xFFFFFA06, s30;
	s1 =	simm.s32 @p1 $0x0  }
0x81: {  	v50 =	vpack.i.b32.b16 v12, v10;
	[tilespmem:s24+$0x631 ss:$0x21] =	vst.msk $0xffff, v8;
	p1 =	sgt.s32 s31, $0x7F;
	s1 =	smul.u32 s1, s28;
	s28 =	ssub.s32 $0x67A, s30  }
0x82: {  	v51 =	vunpack.i.l.s16.s32 v4;
	v7 =	vpack.i.b32.b16 v11, v7;
	v52 =	vunpack.i.l.s16.s32 v5;
	[tilespmem:s24+$0x840 ss:$0x21] =	vst.msk $0xffff, v50;
	s29 =	smul.u32 $0x28, s29;
	s28 =	simm.s32 @p1 $0x0  }
0x83: {  	v53 =	vunpack.i.u.s16.s32 v4;
	v54 =	vunpack.i.u.s16.s32 v5;
	[tilespmem:s24+$0x841 ss:$0x21] =	vst.msk $0xffff, v7;
	v55 =	vpack.i.b32.b16 v52, v51;
	s1 =	smul.u32 s28, s1  }
0x84: {  	v4 =	vpack.i.b32.b16 v54, v53;
	[tilespmem:s24+$0xA50 ss:$0x21] =	vst.msk $0xffff, v55;
	v56 =	vunpack.i.l.s16.s32 v6;
	s28 =	smul.u32 $0x81880, s14  }
0x85: {  	v58 =	vunpack.i.l.s16.s32 v2;
	v59 =	vunpack.i.l.s16.s32 v3;
	[tilespmem:s24+$0xA51 ss:$0x21] =	vst.msk $0xffff, v4;
	v1 =	vpack.i.b32.b16 v1, v56;
	s31 =	smul.u32 $0x140, s11;
	s30 =	sshrl.u32 s12, $0x3;
	s27 =	ssub.s32 s27, s29  }
.Ltmp4:
0x86: {  	v60 =	vunpack.i.u.s16.s32 v2;
	v61 =	vunpack.i.u.s16.s32 v3;
	v62 =	vpack.i.b32.b16 v59, v58;
	[tilespmem:s24+$0x0 ss:$0x21] =	vst.msk $0xffff, v1;
	s24 =	sand.u32 $0x7, s30;
	s28 =	sadd.s32 s5, s28;
	(pc) =	sbr.rel .LBB1_5-.Ltmp4, $4  }
0x87: {  	v57 =	vunpack.i.u.s16.s32 v6;
	v63 =	vpack.i.b32.b16 v61, v60;
	[tilespmem:s26+$0xC60 ss:$0x21] =	vst.msk $0xffff, v62;
	s27 =	sshll.u32 s27, $0x3;
	s28 =	sadd.s32 s31, s28;
	s31 =	sand.u32 $0x7, s12  }
0x88: {  	v0 =	vpack.i.b32.b16 v0, v57;
	[tilespmem:s26+$0xC61 ss:$0x21] =	vst.msk $0xffff, v63;
	s1 =	sshrl.u32 s1, $0x1;
	s24 =	sadd.s32 s24, s28;
	s30 =	sshll.u32 s31, $0x12  }
0x89: {  	[tilespmem:s26+$0x1 ss:$0x21] =	vst.msk $0xffff, v0;
	s1 =	sand.u32 $0x3FFFFFFF, s1;
	s24 =	sadd.s32 s27, s24;
	s31 =	sor.u32 $0x20, s30  }
0x8a: {  	[hbm4b:s24+s31] =	stream.strided.scatter [tilespmem:s25], [sflag:$0x2], s1, s10, s31, $0x10;
	[tilespmem:$0x4100] =	vst v63  }
.LBB1_6:
0x8b: {  	_ =	sfence.sel $0x180000  }
0x8c: {  	s1 =	simm.s32 $0x1;
	[bflag:$0x0] =	sbarrier.arrive $0xFFFF  }
0x8d: {  	s31 =	simm.s32 $0x2;
	[sflag:s1] =	ssyncpa.u1 $0x1  }
0x8e: {  	[sflag:s31] =	ssyncpa.u1 $0x1  }
0x8f: {  	_ =	strace $0x90000056  }
0x90: {  	[bflag:$0x2] =	sbarrier.arrive $0xFFFF  }
0x91: {  	p0 =	sne.s32 s0, $0x0;
	s0 =	rddreg [dreg:$0x1]  }
0x92: {  	s0 =	sadd.s32 @!p0 $0x100000, s0  }
0x93: {  	[sflag:s0] =	ssyncadd.tile.s32 @!p0 $0x1;
	_ =	shalt  }
.Lfunc_end1:
_tile_overlayer_lowered:
.L_overlay_start_2:
0x94: {  	(tag) =	ssettag $0x2  }
0x95: {  	s0 =	rddreg [dreg:$0x0];
	s2 =	stileid.u32  }
0x96: {  	s1 =	rddreg [dreg:$0x1];
	p0 =	sne.s32 s2, $0x0  }
0x97: {  	s3 =	rddreg [dreg:$0x2];
	[bflag:$0x3] =	sbarrier.arrive $0xFFFF;
	s2 =	simm.s32 @!p0 $0x1C01  }
0x98: {  	[timem:s3], [sflag:s2] =	dma.local @!p0 [hbm:s0], s1  }
0x99: {  	s0 =	simm.s32 @!p0 $0x1  }
0x9a: {  	_ =	swait.ge @!p0 [sflag:s0], s1  }
0x9b: {  	s1 =	ssub.s32 @!p0 $0x0, s1;
	[sflag:s0] =	ssyncset.done @!p0 $0x0  }
0x9c: {  	[sflag:s0] =	ssyncadd.s32 @!p0 s1  }
0x9d: {  	[bflag:$0x3] =	sbarrier.arrive $0xFFFF  }
0x9e: {  	_ =	shalt  }

// kernel: sparse-core-data-format-call.2.cloned.1.call-start
scs
called_computation.2_lowered:
.L_overlay_start_0:
0x0: {  	s2 =	sld [smem:$0x3FD9]  }
0x1: {  	s3 =	sld [smem:$0x3FFE];
	_ =	sdelay $0x1  }
0x2: {  	s1 =	srdreg.scid  }
0x3: {  	s0 =	sand.u32 $0x1, s1  }
0x4: {  	s18 =	sshll.u32 s0, $0xA;
	s2 =	sadd.s32 s3, s2  }
0x5: {  	s2 =	sadd.s32 s2, s18  }
0x6: {  	[smem:$0x3F7F] =	sst s2  }
0x7: {  	_ = 	snop  }
0x8: {  	(tm) =	ssettm $0x1  }
0x9: {  	s19 =	sld [smem:$0x3FFB];
	_ =	sdelay $0x3  }
0xa: {  	_ =	strace s19  }
0xb: {  	s2 =	sld [smem:$0x3FFC];
	_ =	sdelay $0x3  }
0xc: {  	_ =	strace s2  }
0xd: {  	s2 =	sld [smem:$0x3FFD];
	_ =	sdelay $0x3  }
0xe: {  	_ =	strace s2  }
0xf: {  	_ =	strace $0x8FFFFFFF  }
0x10: {  	s20 =	sld [smem:$0x3FDB];
	_ =	sdelay $0x1  }
0x11: {  	s21 =	simm.s32 $_scs_section_size  }
0x12: {  	s4 =	simm.s32 $_size__tile_overlayer_lowered;
	s5 =	simm.s32 $_tile_overlayer_lowered  }
0x13: {  	s6 =	simm.s32 $0x1BFF;
	s22 =	sshll.u32 s5, $0x1;
	s3 =	sadd.s32 s21, s20  }
0x14: {  	s23 =	simm.s32 $0x0;
	s4 =	sshll.u32 s4, $0x1;
	s5 =	sadd.s32 s22, s3  }
0x15: {  	[timem:s23], [sflag:s6] =	dma.local [hbm:s5], s4  }
0x16: {  	_ =	swait.ge [sflag:s6], s4  }
0x17: {  	s4 =	ssub.s32 $0x0, s4;
	[sflag:s6] =	ssyncset.done $0x0  }
0x18: {  	[sflag:s6] =	ssyncadd.s32 s4;
	_ =	sdelay $0x1  }
0x19: {  	s24 =	simm.s32 $0x1B8B  }
0x1a: {  	_ =	swait.ge [sflag:s24], $0x1  }
0x1b: {  	[sflag:s24] =	ssyncset.done $0x0  }
0x1c: {  	[sflag:s24] =	ssyncadd.s32 $0xFFFFFFFF  }
0x1d: {  	s4 =	sld [smem:$0x0]  }
0x1e: {  	s5 =	sand.u32 $0xFFFFFFFE, s1  }
0x1f: {  	p0 =	sne.s32 s1, s5  }
0x20: {  	s5 =	sshll.u32 @p0 s5, $0xE  }
0x21: {  	s5 =	sadd.s32 @p0 $0x11B8D, s5;
	s6 =	sshll.u32 @p0 s4, $0x11  }
0x22: {  	s5 =	sor.u32 @p0 s6, s5  }
0x23: {  	[sflag:s5] =	ssyncadd.remote.s32 @p0 $0x1;
	_ =	sdelay $0x1  }
0x24: {  	s5 =	simm.s32 @p0 $0x1B8D  }
0x25: {  	_ =	swait.eq @p0 [sflag:s5], $0x1  }
0x26: {  	[sflag:s5] =	ssyncadd.s32 @p0 $0xFFFFFFFF  }
0x27: {  	s6 =	sshll.u32 @!p0 s1, $0xE  }
0x28: {  	s6 =	sor.u32 @!p0 $0x4000, s6;
	s5 =	simm.s32 @!p0 $0x1B8D  }
0x29: {  	s4 =	sshll.u32 @!p0 s4, $0x11;
	s6 =	sadd.s32 @!p0 $0x11B8D, s6;
	_ =	swait.eq @!p0 [sflag:s5], $0x1  }
0x2a: {  	s4 =	sor.u32 @!p0 s4, s6;
	[sflag:s5] =	ssyncadd.s32 @!p0 $0xFFFFFFFF  }
0x2b: {  	s26 =	simm.s32 $0x1B8E;
	s25 =	sld [smem:$0x3FFE];
	[sflag:s4] =	ssyncadd.remote.s32 @!p0 $0x1  }
0x2c: {  	s27 =	simm.s32 $execute0_lowered;
	[smem:$0x3FD2] =	sst s26  }
0x2d: {  	s5 =	sshll.u32 s27, $0x1;
	_ =	strace $0x8000004F;
	[dreg:$0x1] =	wrdreg $0xFFFFFFFF  }
0x2e: {  	s28 =	simm.s32 $_size_execute0_lowered;
	s3 =	sadd.s32 s3, s5;
	[dreg:$0x0] =	wrdreg $0x0  }
0x2f: {  	s5 =	sshll.u32 s28, $0x1;
	[dreg:$0x2] =	wrdreg s3  }
0x30: {  	[dreg:$0x3] =	wrdreg s5  }
0x31: {  	[dreg:$0x4] =	wrdreg $0xC0  }
0x32: {  	_ =	task [dreg:s23], $0x5FFFF  }
0x33: {  	[dreg:$0x1] =	wrdreg $0xFFFFFFFF  }
0x34: {  	[dreg:$0x0] =	wrdreg $0x60  }
0x35: {  	[dreg:$0x2] =	wrdreg s25  }
0x36: {  	[dreg:$0x3] =	wrdreg $0x9  }
0x37: {  	_ =	task.clear_ibuf [dreg:s23], $0x4FFFF;
	_ =	strace $0x9000004F  }
0x38: {  	s29 =	simm.s32 $0x9;
	_ =	strace $0x80000051  }
0x39: {  	_ =	swait.ge [sflag:s29], $0x1  }
0x3a: {  	[sflag:s29] =	ssyncadd.s32 $0xFFFFFFFF  }
0x3b: {  	_ =	strace $0x90000051  }
0x3c: {  	_ =	sfence  }
0x3d: {  	s30 =	sld [smem:$0x0];
	_ =	sdelay $0x2  }
0x3e: {  	s31 =	sshll.u32 s1, $0xD;
	s1 =	sshrl.u32 s1, $0x2  }
0x3f: {  	s4 =	sand.u32 $0x4000, s31;
	s1 =	sadd.s32 s1, s30  }
0x40: {  	s0 =	sor.u32 s4, s0;
	s1 =	sshll.u32 s1, $0x11  }
0x41: {  	s0 =	sor.u32 s1, s0  }
0x42: {  	s0 =	sadd.s32 $0x8F2B, s0  }
0x43: {  	[sflag:s0] =	ssyncadd.remote.s32 $0x1  }
0x44: {  	_ =	sfence.sel $0xFFFF  }
0x45: {  	[dreg:$0x0] =	wrdreg $0xFFFFFFFF;
	(pc) =	sbr.abs _section_cstart, $3  }
0x46: {  	[dreg:$0x1] =	wrdreg $0xFFFFFFFF  }
0x47: {  	_ =	task.clear_ibuf [dreg:s23], $0x2FFFF;
	_ =	strace $0x9FFFFFFF  }
0x48: {  	(tm) =	ssettm $0x7FFFFFFF  }
0x49: {  	_ =	shalt  }
tec
execute0_lowered:
.L_overlay_start_1:
0x0: {  	(tag) =	ssettag $0x1  }
0x1: {  	s0 =	stileid.u32  }
0x2: {  	s1 =	srdreg.scid;
	s5 =	rddreg [dreg:$0x0];
	s4 =	simm.s32 $0x1  }
0x3: {  	s7 =	simm.s32 $0x2;
	s14 =	simm.s32 $0x0;
	p0 =	por $0x0, $0x0  }
0x4: {  	s9 =	simm.s32 $0x1A00;
	s2 =	sshll.u32 s0, $0x5;
	s1 =	sshll.u32 s1, $0x9  }
0x5: {  	s16 =	simm.s32 $0x0;
	s15 =	simm.s32 $0x0;
	s2 =	sor.u32 s2, s1  }
0x6: {  	s10 =	simm.s32 $0x0;
	s13 =	simm.s32 $0x0;
	s2 =	sand.u32 $0x380, s2  }
.Ltmp0:
0x7: {  	s3 =	sadd.s32 $0x227800, s5;
	s6 =	ssub.s32 $0x600, s2;
	(pc) =	sbr.rel .LBB1_1-.Ltmp0, $4  }
0x8: {  	s1 =	rddreg [dreg:$0x1];
	_ =	strace $0x80000050;
	s6 =	sshrl.u32 s6, $0xA  }
0x9: {  	s5 =	sadd.s32 $0x42DA00, s5;
	[sflag:s4] =	ssyncpa.u1 $0x0;
	s8 =	smul.u32 $0x14, s6  }
0xa: {  	[sflag:s7] =	ssyncpa.u1 $0x0;
	s11 =	smov.u32 s2;
	s6 =	sand.u32 $0x3, s0  }
0xb: {  	s12 =	smov.u32 s6;
	s7 =	sadd.s32 $0x14, s8;
	s8 =	sadd.s32 $0x15, s8  }
.LBB1_5:
0xc: {  	s17 =	sadd.s32 $0x2, s10  }
0xd: {  	s14 =	sadd.s32 $0x400, s11;
	s18 =	smov.u32 s11;
	p2 =	sgt.s32 s17, $0x27  }
0xe: {  	s18 =	smov.u32 @p2 s14  }
0xf: {  	s20 =	smov.u32 s12;
	s14 =	sadd.s32 $0x4, s12;
	p3 =	sgt.s32 s18, $0x679  }
0x10: {  	s20 =	smov.u32 @p3 s14  }
0x11: {  	s17 =	simm.s32 @p2 $0x0;
	p2 =	sgt.s32 s20, $0x3  }
0x12: {  	p1 =	slt.u32 s13, $0x2;
	s20 =	smov.u32 @p2 s6;
	p2 =	sne.s32 s13, s8  }
.Ltmp1:
0x13: {  	s19 =	simm.s32 @!p1 $0x2;
	(pc) =	sbr.rel @!p2 .LBB1_6-.Ltmp1, $4  }
0x14: {  	s16 =	smov.u32 s11;
	s15 =	smov.u32 s12;
	_ =	swait.ge @!p1 [sflag:s19], $0x2000  }
0x15: {  	p0 =	por !p0, !p0;
	[sflag:s19] =	ssyncset.done @!p1 $0x0;
	s18 =	smov.u32 @p3 s2  }
0x16: {  	s14 =	smov.u32 s10;
	[sflag:s19] =	ssyncadd.s32 @!p1 $0xFFFFE000;
	s10 =	smov.u32 s17  }
0x17: {  	s11 =	smov.u32 s18;
	s13 =	sadd.s32 $0x1, s13;
	s12 =	smov.u32 s20  }
.LBB1_1:
0x18: {  	p1 =	sge.u32 s13, s7  }
0x19: {  	s19 =	smov.u32 s12;
	s17 =	sand.u32 @!p1 $0x1FFFFFE, s10;
	p2 =	sgt.s32 @!p1 s12, $0x3  }
0x1a: {  	s20 =	sshra.s32 @!p1 s12, $0x1F;
	s21 =	sshra.s32 @!p1 s11, $0x1F;
	s18 =	smulhi.u32 @!p1 $0x6666667, s17  }
0x1b: {  	p2 =	por !p2, p1;
	s20 =	sand.u32 @!p1 s20, s12;
	s21 =	sand.u32 @!p1 s21, s11  }
0x1c: {  	s19 =	simm.s32 @p2 $0x3;
	p2 =	sgt.s32 @!p1 s11, $0x5FA;
	s18 =	smul.u32 @!p1 $0x28, s18  }
0x1d: {  	s19 =	ssub.s32 @!p1 s19, s20;
	p2 =	por !p2, p1;
	s20 =	smov.u32 s11  }
0x1e: {  	s20 =	simm.s32 @p2 $0x5FA;
	p2 =	sgt.s32 @!p1 s10, $0x26;
	s19 =	sadd.s32 @!p1 $0xFFFFFFFD, s19  }
0x1f: {  	s20 =	ssub.s32 @!p1 s20, s21;
	p2 =	por !p2, p1;
	s21 =	smov.u32 s10  }
0x20: {  	p3 =	sgt.s32 @!p1 s19, $0x0;
	s19 =	sshll.u32 @!p1 s19, $0x5;
	s22 =	sadd.s32 @!p1 $0xFFFFFA06, s20  }
0x21: {  	s21 =	simm.s32 @p2 $0x26;
	p2 =	sgt.s32 @!p1 s22, $0x7F;
	s22 =	sshra.s32 @!p1 s10, $0x1F  }
0x22: {  	s20 =	ssub.s32 @!p1 $0x67A, s20;
	s19 =	ssub.s32 @!p1 $0x20, s19;
	s22 =	sand.u32 @!p1 s22, s10  }
0x23: {  	p3 =	por !p3, p1;
	p2 =	por !p2, p1;
	s21 =	ssub.s32 @!p1 s21, s22  }
0x24: {  	s19 =	simm.s32 @!p3 $0x0;
	s20 =	simm.s32 @!p2 $0x0;
	s22 =	sadd.s32 @!p1 $0xFFFFFFDA, s21  }
0x25: {  	s19 =	smul.u32 @!p1 s20, s19;
	p2 =	sgt.s32 @!p1 s22, $0x1  }
0x26: {  	s20 =	ssub.s32 @!p1 $0x28, s21;
	s21 =	smul.u32 @!p1 $0x81880, s12;
	p2 =	por !p2, p1  }
0x27: {  	s22 =	smul.u32 @!p1 $0x140, s11;
	s20 =	simm.s32 @!p2 $0x0  }
0x28: {  	s17 =	ssub.s32 @!p1 s17, s18;
	s18 =	smul.u32 @!p1 s20, s19;
	s19 =	sadd.s32 @!p1 s3, s21  }
0x29: {  	s17 =	sshll.u32 @!p1 s17, $0x3;
	s20 =	sxor.u32 @!p1 $0xFFFFFFFF, s13;
	s19 =	sadd.s32 @!p1 s22, s19  }
0x2a: {  	s21 =	simm.s32 @!p1 $0xA00;
	s17 =	sadd.s32 @!p1 s17, s19;
	s19 =	sshll.u32 @!p1 s20, $0xD  }
0x2b: {  	s18 =	sand.u32 @!p1 $0x3FFFFFE0, s18;
	s20 =	simm.s32 @!p1 $0x40;
	s19 =	sand.u32 @!p1 $0x2000, s19  }
0x2c: {  	[tilespmem:s19], [sflag:$0x1] =	stream.strided.gather @!p1 [hbm4b:s17+s20], s18, s21, s20, $0x38;
	[tilespmem:$0x8080] =	vst v63  }
0x2d: {  	p1 =	seq.s32 s13, $0x0  }
0x2e: {  	p2 =	sge.u32 @!p1 s13, s8  }
0x2f: {  	p1 =	por p1, p2  }
.Ltmp2:
0x30: {  	_ = 	snop;
	(pc) =	sbr.rel @p1 .LBB1_5-.Ltmp2, $1  }
0x31: {  	_ =	sdelay $0x3  }
0x32: {  	p1 =	sgt.s32 s15, $0x3  }
0x33: {  	s17 =	smov.u32 s15;
	s18 =	sshra.s32 s15, $0x1F;
	s19 =	sshra.s32 s16, $0x1F  }
0x34: {  	p2 =	sgt.s32 s14, $0x26;
	s17 =	simm.s32 @!p1 $0x3;
	s18 =	sand.u32 s18, s15  }
0x35: {  	s21 =	sshra.s32 s14, $0x1F;
	p1 =	sgt.s32 s16, $0x5FA;
	s17 =	ssub.s32 s17, s18  }
0x36: {  	s19 =	sand.u32 s19, s16;
	s18 =	smov.u32 s16;
	s17 =	sadd.s32 $0xFFFFFFFD, s17  }
0x37: {  	s26 =	sand.u32 s21, s14;
	s18 =	simm.s32 @!p1 $0x5FA;
	p1 =	sgt.s32 s17, $0x0  }
0x38: {  	s18 =	ssub.s32 s18, s19;
	s19 =	smov.u32 s14;
	s17 =	sshll.u32 s17, $0x5  }
0x39: {  	s20 =	sadd.s32 $0xFFFFFA06, s18;
	s19 =	simm.s32 @!p2 $0x26;
	s18 =	ssub.s32 $0x67A, s18  }
0x3a: {  	s17 =	ssub.s32 $0x20, s17;
	p2 =	sgt.s32 s20, $0x7F;
	s19 =	ssub.s32 s19, s26  }
0x3b: {  	s17 =	simm.s32 @p1 $0x0;
	s18 =	simm.s32 @p2 $0x0;
	s20 =	sadd.s32 $0xFFFFFFDA, s19  }
0x3c: {  	s19 =	ssub.s32 $0x28, s19;
	p1 =	sgt.s32 s20, $0x1;
	s17 =	smul.u32 s18, s17  }
0x3d: {  	s19 =	simm.s32 @p1 $0x0  }
0x3e: {  	s17 =	smul.u32 s19, s17;
	_ =	sdelay $0x1  }
0x3f: {  	s18 =	simm.s32 $0x1;
	s17 =	sand.u32 $0x3FFFFFE0, s17  }
0x40: {  	s18 =	simm.s32 @!p0 $0x0;
	_ =	swait.ge [sflag:s4], s17  }
0x41: {  	s27 =	sshll.u32 s18, $0xD;
	s17 =	ssub.s32 $0x0, s17;
	[sflag:s4] =	ssyncset.done $0x0  }
0x42: {  	s19 =	sor.u32 $0x20, s27;
	[sflag:s4] =	ssyncadd.s32 s17  }
0x43: {  	v0 =	vld [tilespmem:s19+$0x0]  }
0x44: {  	v1 =	vld [tilespmem:s19+$0x10]  }
0x45: {  	v2 =	vld [tilespmem:s19+$0xFFFFFFF0]  }
0x46: {  	v3 =	vld [tilespmem:s19+$0xFFFFFFE0];
	_ =	sdelay $0x2  }
0x47: {  	s28 =	smul.u32 $0x8100, s18;
	s22 =	sadd.s32 $0x40, s19  }
0x48: {  	v1 =	vperm.xlane.i2c.b16 v1;
	v4 =	vperm.xlane.i2c.b16 v0;
	v0 =	vld [tilespmem:s22+$0x0]  }
0x49: {  	s29 =	sand.u32 $0x1, s13;
	s17 =	sshrl.u32 s28, $0x2;
	v6 =	vperm.xlane.i2c.b16 v2;
	v2 =	vld [tilespmem:s22+$0x10];
	v7 =	vperm.xlane.i2c.b16 v3  }
0x4a: {  	s30 =	smul.u32 $0x8100, s29;
	s18 =	sor.u32 $0x4000, s17;
	v5 =	vcombine.low v4, v1;
	v8 =	vcombine.high v4, v1;
	v1 =	vld [tilespmem:s22+$0xFFFFFFF0]  }
0x4b: {  	s19 =	sadd.s32 $0x0, s18;
	v3 =	vld [tilespmem:s22+$0xFFFFFFE0]  }
0x4c: {  	s21 =	simm.s32 $0x8;
	s31 =	sshrl.u32 s30, $0x2;
	[tilespmem:s19+$0x810 ss:$0x81] =	vst.msk $0xffff, v5;
	v5 =	vcombine.low v7, v6  }
0x4d: {  	s20 =	simm.s32 $0x4;
	s17 =	sor.u32 $0x4000, s31;
	v4 =	vcombine.high v7, v6;
	s22 =	sadd.s32 $0x40, s22;
	[tilespmem:s19+$0x1830 ss:$0x81] =	vst.msk $0xffff, v8  }
.LBB1_3:
0x4e: {  	v6 =	vperm.xlane.i2c.b16 v2;
	v7 =	vperm.xlane.i2c.b16 v0;
	v0 =	vld [tilespmem:s22+$0x0];
	[tilespmem:s19+$0x0 ss:$0x81] =	vst.msk $0xffff, v5;
	s23 =	smov.u32 s21;
	p1 =	sne.s32 s21, $0x1FC  }
.Ltmp3:
0x4f: {  	v2 =	vld [tilespmem:s22+$0x10];
	v8 =	vperm.xlane.i2c.b16 v1;
	[tilespmem:s19+$0x1020 ss:$0x81] =	vst.msk $0xffff, v4;
	(pc) =	sbr.rel @p1 .LBB1_3-.Ltmp3, $4  }
0x50: {  	s21 =	sadd.s32 $0x4, s21;
	s19 =	sshra.s32 s20, $0x2;
	v1 =	vld [tilespmem:s22+$0xFFFFFFF0];
	v4 =	vperm.xlane.i2c.b16 v3;
	v9 =	vcombine.low v7, v6  }
0x51: {  	s20 =	smov.u32 s23;
	s19 =	sadd.s32 s19, s18;
	v6 =	vcombine.high v7, v6;
	v3 =	vld [tilespmem:s22+$0xFFFFFFE0]  }
0x52: {  	v5 =	vcombine.low v4, v8;
	v4 =	vcombine.high v4, v8;
	[tilespmem:s19+$0x810 ss:$0x81] =	vst.msk $0xffff, v9  }
0x53: {  	s22 =	sadd.s32 $0x40, s22;
	[tilespmem:s19+$0x1830 ss:$0x81] =	vst.msk $0xffff, v6  }
0x54: {  	s21 =	sshll.u32 s16, $0x3;
	s28 =	sshll.u32 s16, $0x1  }
0x55: {  	s21 =	sand.u32 $0xFFFFFC00, s21;
	s16 =	sand.u32 $0xFE, s28  }
0x56: {  	s16 =	sor.u32 s16, s21  }
0x57: {  	s21 =	smulhi.u32 $0x4EC4EC4F, s16  }
0x58: {  	v2 =	vperm.xlane.i2c.b16 v2;
	v0 =	vperm.xlane.i2c.b16 v0;
	s15 =	smul.u32 $0x41000, s15  }
0x59: {  	s14 =	smul.u32 $0x1A00, s14;
	v1 =	vperm.xlane.i2c.b16 v1;
	s21 =	sshrl.u32 s21, $0x9  }
0x5a: {  	[tilespmem:s19+$0x0 ss:$0x81] =	vst.msk $0xffff, v5;
	s20 =	sshra.s32 s20, $0x2;
	v3 =	vperm.xlane.i2c.b16 v3;
	v62 =	vcombine.low v0, v2;
	s15 =	sadd.s32 s5, s15;
	s22 =	smul.u32 $0x680, s21  }
0x5b: {  	[tilespmem:s19+$0x1020 ss:$0x81] =	vst.msk $0xffff, v4;
	s18 =	sadd.s32 s20, s18;
	v0 =	vcombine.high v0, v2;
	s14 =	sadd.s32 s14, s15  }
.Ltmp4:
0x5c: {  	v63 =	vcombine.low v3, v1;
	[tilespmem:s18+$0x810 ss:$0x81] =	vst.msk $0xffff, v62;
	s29 =	sand.u32 $0x3F, s21;
	s16 =	ssub.s32 s16, s22;
	(pc) =	sbr.rel .LBB1_5-.Ltmp4, $4  }
0x5d: {  	v1 =	vcombine.high v3, v1;
	[tilespmem:s18+$0x1830 ss:$0x81] =	vst.msk $0xffff, v0;
	s19 =	smul.u32 $0x68, s29;
	s30 =	sshrl.u32 s16, $0x4;
	s31 =	sshll.u32 s16, $0x11  }
0x5e: {  	[tilespmem:s18+$0x0 ss:$0x81] =	vst.msk $0xffff, v63;
	s14 =	sadd.s32 s30, s14;
	s15 =	sand.u32 $0x1C0000, s31  }
0x5f: {  	[tilespmem:s18+$0x1020 ss:$0x81] =	vst.msk $0xffff, v1;
	s14 =	sadd.s32 s19, s14;
	s15 =	sor.u32 $0x200, s15  }
0x60: {  	[hbm4b:s14+s15] =	stream.strided.scatter [tilespmem:s17], [sflag:$0x2], $0x2000, s9, s15, $0x20;
	[tilespmem:$0x8080] =	vst v63  }
.LBB1_6:
0x61: {  	_ =	sfence.sel $0x180000  }
0x62: {  	s2 =	simm.s32 $0x1;
	[bflag:$0x0] =	sbarrier.arrive $0xFFFF  }
0x63: {  	s31 =	simm.s32 $0x2;
	[sflag:s2] =	ssyncpa.u1 $0x1  }
0x64: {  	[sflag:s31] =	ssyncpa.u1 $0x1  }
0x65: {  	p0 =	sne.s32 s0, $0x0;
	_ =	strace $0x90000050  }
0x66: {  	s0 =	sadd.s32 @!p0 $0x100000, s1;
	[bflag:$0x2] =	sbarrier.arrive $0xFFFF  }
0x67: {  	[sflag:s0] =	ssyncadd.tile.s32 @!p0 $0x1;
	_ =	shalt  }
.Lfunc_end1:
_tile_overlayer_lowered:
.L_overlay_start_2:
0x68: {  	(tag) =	ssettag $0x2  }
0x69: {  	s0 =	rddreg [dreg:$0x0];
	s2 =	stileid.u32  }
0x6a: {  	s1 =	rddreg [dreg:$0x1];
	p0 =	sne.s32 s2, $0x0  }
0x6b: {  	s3 =	rddreg [dreg:$0x2];
	[bflag:$0x3] =	sbarrier.arrive $0xFFFF;
	s2 =	simm.s32 @!p0 $0x1C01  }
0x6c: {  	[timem:s3], [sflag:s2] =	dma.local @!p0 [hbm:s0], s1  }
0x6d: {  	s0 =	simm.s32 @!p0 $0x1  }
0x6e: {  	_ =	swait.ge @!p0 [sflag:s0], s1  }
0x6f: {  	s1 =	ssub.s32 @!p0 $0x0, s1;
	[sflag:s0] =	ssyncset.done @!p0 $0x0  }
0x70: {  	[sflag:s0] =	ssyncadd.s32 @!p0 s1  }
0x71: {  	[bflag:$0x3] =	sbarrier.arrive $0xFFFF  }
0x72: {  	_ =	shalt  }

// kernel: sparse-core-data-format-call.cloned.1.call-start
scs
called_computation_lowered:
.L_overlay_start_0:
0x0: {  	s1 =	sld [smem:$0x3FD9]  }
0x1: {  	s2 =	sld [smem:$0x3FFE];
	_ =	sdelay $0x1  }
0x2: {  	s3 =	srdreg.scid  }
0x3: {  	s0 =	sand.u32 $0x1, s3  }
0x4: {  	s17 =	sshll.u32 s0, $0xA;
	s1 =	sadd.s32 s2, s1  }
0x5: {  	s1 =	sadd.s32 s1, s17  }
0x6: {  	[smem:$0x3F7F] =	sst s1  }
0x7: {  	_ = 	snop  }
0x8: {  	(tm) =	ssettm $0x1  }
0x9: {  	s18 =	sld [smem:$0x3FFB];
	_ =	sdelay $0x3  }
0xa: {  	_ =	strace s18  }
0xb: {  	s1 =	sld [smem:$0x3FFC];
	_ =	sdelay $0x3  }
0xc: {  	_ =	strace s1  }
0xd: {  	s1 =	sld [smem:$0x3FFD];
	_ =	sdelay $0x3  }
0xe: {  	_ =	strace s1  }
0xf: {  	_ =	strace $0x8FFFFFFF  }
0x10: {  	s19 =	sld [smem:$0x3FDB];
	_ =	sdelay $0x1  }
0x11: {  	s20 =	simm.s32 $_scs_section_size  }
0x12: {  	s4 =	simm.s32 $_size__tile_overlayer_lowered;
	s5 =	simm.s32 $_tile_overlayer_lowered  }
0x13: {  	s23 =	simm.s32 $0x1BFF;
	s22 =	sshll.u32 s5, $0x1;
	s1 =	sadd.s32 s20, s19  }
0x14: {  	s6 =	simm.s32 $0x0;
	s21 =	sshll.u32 s4, $0x1;
	s4 =	sadd.s32 s22, s1  }
0x15: {  	[timem:s6], [sflag:s23] =	dma.local [hbm:s4], s21  }
0x16: {  	_ =	swait.ge [sflag:s23], s21  }
0x17: {  	s2 =	ssub.s32 $0x0, s21;
	[sflag:s23] =	ssyncset.done $0x0  }
0x18: {  	[sflag:s23] =	ssyncadd.s32 s2;
	_ =	sdelay $0x1  }
0x19: {  	s24 =	simm.s32 $0x1B8B  }
0x1a: {  	_ =	swait.ge [sflag:s24], $0x1  }
0x1b: {  	[sflag:s24] =	ssyncset.done $0x0  }
0x1c: {  	s26 =	simm.s32 $0x1B8E;
	s25 =	sld [smem:$0x3FFE];
	[sflag:s24] =	ssyncadd.s32 $0xFFFFFFFF  }
0x1d: {  	s27 =	simm.s32 $execute0_lowered;
	[smem:$0x3FD2] =	sst s26  }
0x1e: {  	s4 =	sshll.u32 s27, $0x1;
	_ =	strace $0x80000058;
	[dreg:$0x1] =	wrdreg $0xFFFFFFFF  }
0x1f: {  	s28 =	simm.s32 $_size_execute0_lowered;
	s1 =	sadd.s32 s1, s4;
	[dreg:$0x0] =	wrdreg $0x0  }
0x20: {  	s4 =	sshll.u32 s28, $0x1;
	[dreg:$0x2] =	wrdreg s1  }
0x21: {  	[dreg:$0x3] =	wrdreg s4  }
0x22: {  	[dreg:$0x4] =	wrdreg $0xC0  }
0x23: {  	_ =	task [dreg:s6], $0x5FFFF  }
0x24: {  	[dreg:$0x1] =	wrdreg $0xFFFFFFFF  }
0x25: {  	[dreg:$0x0] =	wrdreg $0x60  }
0x26: {  	[dreg:$0x2] =	wrdreg s25  }
0x27: {  	[dreg:$0x3] =	wrdreg $0x9  }
0x28: {  	_ =	task.clear_ibuf [dreg:s6], $0x4FFFF;
	_ =	strace $0x90000058  }
0x29: {  	s29 =	simm.s32 $0x9;
	_ =	strace $0x8000005A  }
0x2a: {  	_ =	swait.ge [sflag:s29], $0x1  }
0x2b: {  	[sflag:s29] =	ssyncadd.s32 $0xFFFFFFFF  }
0x2c: {  	_ =	strace $0x9000005A  }
0x2d: {  	_ =	sfence  }
0x2e: {  	s30 =	sld [smem:$0x0];
	_ =	sdelay $0x2  }
0x2f: {  	s31 =	sshll.u32 s3, $0xD;
	s3 =	sshrl.u32 s3, $0x2  }
0x30: {  	s2 =	sand.u32 $0x4000, s31;
	s1 =	sadd.s32 s3, s30  }
0x31: {  	s0 =	sor.u32 s2, s0;
	s1 =	sshll.u32 s1, $0x11  }
0x32: {  	s0 =	sor.u32 s1, s0  }
0x33: {  	s0 =	sadd.s32 $0x8F2B, s0  }
0x34: {  	[sflag:s0] =	ssyncadd.remote.s32 $0x1  }
0x35: {  	_ =	sfence.sel $0xFFFF  }
0x36: {  	[dreg:$0x0] =	wrdreg $0xFFFFFFFF;
	(pc) =	sbr.abs _section_cstart, $3  }
0x37: {  	[dreg:$0x1] =	wrdreg $0xFFFFFFFF  }
0x38: {  	_ =	task.clear_ibuf [dreg:s6], $0x2FFFF;
	_ =	strace $0x9FFFFFFF  }
0x39: {  	(tm) =	ssettm $0x7FFFFFFF  }
tec
execute0_lowered:
.L_overlay_start_1:
0x0: {  	(tag) =	ssettag $0x1  }
0x1: {  	s0 =	srdreg.scid  }
0x2: {  	s3 =	rddreg [dreg:$0x0];
	s1 =	stileid.u32  }
0x3: {  	s6 =	simm.s32 $0x1;
	s7 =	simm.s32 $0xC;
	s8 =	simm.s32 $0x2  }
0x4: {  	s14 =	simm.s32 $0x0;
	s9 =	simm.s32 $0x1800;
	s16 =	simm.s32 $0x0  }
0x5: {  	s15 =	simm.s32 $0x0;
	s11 =	simm.s32 $0x0;
	s2 =	sshll.u32 s0, $0x4  }
0x6: {  	s0 =	rddreg [dreg:$0x1];
	_ =	strace $0x80000059;
	s4 =	sor.u32 s1, s2  }
.Ltmp0:
0x7: {  	s2 =	sadd.s32 $0x22AC00, s3;
	s5 =	sshrl.u32 s4, $0x1;
	(pc) =	sbr.rel .LBB1_1-.Ltmp0, $4  }
0x8: {  	s13 =	simm.s32 $0x0;
	s3 =	sadd.s32 $0x39FC00, s3;
	s5 =	sand.u32 $0xE, s5  }
0x9: {  	[sflag:s6] =	ssyncpa.u1 $0x0;
	s4 =	sand.u32 $0x3, s1;
	p0 =	seq.s32 s5, $0xE  }
0xa: {  	[sflag:s8] =	ssyncpa.u1 $0x0;
	s12 =	smov.u32 s4;
	s7 =	simm.s32 @!p0 $0x18  }
0xb: {  	s10 =	smov.u32 s5;
	p0 =	por $0x0, $0x0;
	s8 =	sor.u32 $0x1, s7  }
.LBB1_4:
0xc: {  	v11 =	vld [tilespmem:s20+$0xFFFFFFE0];
	v12 =	vcombine.low v6, v7  }
0xd: {  	v3 =	vperm.xlane.i2c.b16 v3;
	[tilespmem:s21+$0x3870 ss:$0x81] =	vst.msk $0xffff, v9;
	v46 =	vld [tilespmem:s20+$0xFFFFFFF0];
	v4 =	vperm.xlane.i2c.b16 v4  }
0xe: {  	v47 =	vcombine.high v6, v7;
	[tilespmem:s19+$0x2040 ss:$0x81] =	vst.msk $0xffff, v10;
	v48 =	vld [tilespmem:s20+$0x0];
	v5 =	vperm.xlane.i2c.b16 v5  }
0xf: {  	v50 =	vld [tilespmem:s20+$0x10];
	v2 =	vperm.xlane.i2c.b16 v2;
	[tilespmem:s21+$0x810 ss:$0x81] =	vst.msk $0xffff, v12;
	v49 =	vcombine.low v8, v3  }
0x10: {  	v52 =	vld [tilespmem:s20+$0xFFFFFFC0];
	v1 =	vperm.xlane.i2c.b16 v1;
	v51 =	vcombine.low v4, v0;
	[tilespmem:s21+$0x2850 ss:$0x81] =	vst.msk $0xffff, v47  }
0x11: {  	s27 =	sshll.u32 s16, $0x3;
	s28 =	sshll.u32 s16, $0x1;
	s29 =	sshra.s32 s22, $0x2;
	v3 =	vcombine.high v8, v3;
	v53 =	vcombine.low v2, v5;
	[tilespmem:s21+$0x1020 ss:$0x81] =	vst.msk $0xffff, v49  }
0x12: {  	s19 =	sand.u32 $0xFFFFFC00, s27;
	s16 =	sand.u32 $0xFE, s28;
	s18 =	sadd.s32 s29, s18;
	v2 =	vcombine.high v2, v5;
	v56 =	vcombine.high v4, v0;
	[tilespmem:s21+$0x0 ss:$0x81] =	vst.msk $0xffff, v51  }
0x13: {  	s16 =	sor.u32 s16, s19;
	[tilespmem:s18+$0x1830 ss:$0x81] =	vst.msk $0xffff, v53;
	v11 =	vperm.xlane.i2c.b16 v11;
	v54 =	vperm.xlane.i2c.b16 v46  }
0x14: {  	s30 =	smulhi.u32 $0xAAAAAAAB, s16;
	[tilespmem:s21+$0x3060 ss:$0x81] =	vst.msk $0xffff, v3;
	v55 =	vperm.xlane.i2c.b16 v48;
	v58 =	vperm.xlane.i2c.b16 v50  }
0x15: {  	s19 =	smulhi.u32 $0xAAAAAAAB, s19;
	[tilespmem:s18+$0x3870 ss:$0x81] =	vst.msk $0xffff, v2;
	v60 =	vperm.xlane.i2c.b16 v52;
	v57 =	vcombine.low v11, v54  }
0x16: {  	s15 =	smul.u32 $0x5A000, s15;
	s20 =	sshrl.u32 s30, $0xA;
	[tilespmem:s21+$0x2040 ss:$0x81] =	vst.msk $0xffff, v56;
	v61 =	vcombine.low v55, v58  }
0x17: {  	s19 =	sshrl.u32 s19, $0xA;
	s20 =	smul.u32 $0x600, s20;
	v63 =	vcombine.low v60, v1;
	[tilespmem:s18+$0x810 ss:$0x81] =	vst.msk $0xffff, v57  }
0x18: {  	s14 =	smul.u32 $0x3000, s14;
	s19 =	sand.u32 $0x7F, s19;
	v59 =	vcombine.high v11, v54;
	[tilespmem:s18+$0x1020 ss:$0x81] =	vst.msk $0xffff, v61  }
0x19: {  	s15 =	sadd.s32 s3, s15;
	s19 =	smul.u32 $0x60, s19;
	v62 =	vcombine.high v55, v58;
	s16 =	ssub.s32 s16, s20;
	[tilespmem:s18+$0x0 ss:$0x81] =	vst.msk $0xffff, v63  }
0x1a: {  	s14 =	sadd.s32 s14, s15;
	v0 =	vcombine.high v60, v1;
	s31 =	sshll.u32 s16, $0x11;
	[tilespmem:s18+$0x2850 ss:$0x81] =	vst.msk $0xffff, v59  }
0x1b: {  	s14 =	sadd.s32 s19, s14;
	s16 =	sshrl.u32 s16, $0x4;
	[tilespmem:s18+$0x3060 ss:$0x81] =	vst.msk $0xffff, v62;
	s15 =	sand.u32 $0x1C0000, s31  }
0x1c: {  	[tilespmem:s18+$0x2040 ss:$0x81] =	vst.msk $0xffff, v0;
	s14 =	sadd.s32 s16, s14;
	s15 =	sor.u32 $0x200, s15  }
0x1d: {  	[hbm4b:s14+s15] =	stream.strided.scatter [tilespmem:s17], [sflag:$0x2], $0x4000, s9, s15, $0x20;
	[tilespmem:$0x10100] =	vst v63  }
.LBB1_5:
0x1e: {  	s17 =	sadd.s32 $0x10, s10  }
0x1f: {  	s14 =	sadd.s32 $0x80, s11;
	s18 =	smov.u32 s11;
	p2 =	sgt.s32 s17, $0x1D  }
0x20: {  	s18 =	smov.u32 @p2 s14  }
0x21: {  	s20 =	smov.u32 s12;
	s14 =	sadd.s32 $0x4, s12;
	p3 =	sgt.s32 s18, $0x5D3  }
0x22: {  	s20 =	smov.u32 @p3 s14  }
0x23: {  	s17 =	smov.u32 @p2 s5;
	p2 =	sgt.s32 s20, $0x3  }
0x24: {  	p1 =	slt.u32 s13, $0x2;
	s20 =	smov.u32 @p2 s4;
	p2 =	sne.s32 s13, s8  }
.Ltmp1:
0x25: {  	s19 =	simm.s32 @!p1 $0x2;
	(pc) =	sbr.rel @!p2 .LBB1_6-.Ltmp1, $4  }
0x26: {  	s16 =	smov.u32 s11;
	s15 =	smov.u32 s12;
	_ =	swait.ge @!p1 [sflag:s19], $0x4000  }
0x27: {  	p0 =	por !p0, !p0;
	[sflag:s19] =	ssyncset.done @!p1 $0x0;
	s18 =	simm.s32 @p3 $0x0  }
0x28: {  	s14 =	smov.u32 s10;
	[sflag:s19] =	ssyncadd.s32 @!p1 $0xFFFFC000;
	s10 =	smov.u32 s17  }
0x29: {  	s11 =	smov.u32 s18;
	s13 =	sadd.s32 $0x1, s13;
	s12 =	smov.u32 s20  }
.LBB1_1:
0x2a: {  	p1 =	sge.u32 s13, s7  }
0x2b: {  	s17 =	smov.u32 s12;
	p2 =	sgt.s32 @!p1 s12, $0x3;
	s18 =	sshra.s32 @!p1 s12, $0x1F  }
0x2c: {  	s19 =	sshra.s32 @!p1 s11, $0x1F;
	p3 =	sgt.s32 @!p1 s10, $0x1E;
	p2 =	por !p2, p1  }
0x2d: {  	s21 =	sshra.s32 @!p1 s10, $0x1F;
	s18 =	sand.u32 @!p1 s18, s12;
	s17 =	simm.s32 @p2 $0x3  }
0x2e: {  	s19 =	sand.u32 @!p1 s19, s11;
	p2 =	sgt.s32 @!p1 s11, $0x554;
	s17 =	ssub.s32 @!p1 s17, s18  }
0x2f: {  	p2 =	por !p2, p1;
	s18 =	smov.u32 s11;
	s17 =	sadd.s32 @!p1 $0xFFFFFFFD, s17  }
0x30: {  	p3 =	por !p3, p1;
	s18 =	simm.s32 @p2 $0x554;
	p2 =	sgt.s32 @!p1 s17, $0x0  }
0x31: {  	s18 =	ssub.s32 @!p1 s18, s19;
	s19 =	smov.u32 s10;
	s17 =	sshll.u32 @!p1 s17, $0x6  }
0x32: {  	s20 =	sadd.s32 @!p1 $0xFFFFFAAC, s18;
	s19 =	simm.s32 @p3 $0x1E;
	s18 =	ssub.s32 @!p1 $0x5D4, s18  }
0x33: {  	s17 =	ssub.s32 @!p1 $0x40, s17;
	p3 =	sgt.s32 @!p1 s20, $0x7F;
	s20 =	sand.u32 @!p1 s21, s10  }
0x34: {  	p2 =	por !p2, p1;
	p3 =	por !p3, p1;
	s19 =	ssub.s32 @!p1 s19, s20  }
0x35: {  	s17 =	simm.s32 @!p2 $0x0;
	s20 =	sadd.s32 @!p1 $0xFFFFFFE2, s19;
	s18 =	simm.s32 @!p3 $0x0  }
0x36: {  	p3 =	sgt.s32 @!p1 s20, $0x1;
	s17 =	smul.u32 @!p1 s18, s17  }
0x37: {  	s19 =	ssub.s32 @!p1 $0x20, s19;
	s18 =	smul.u32 @!p1 $0x5D400, s12;
	p2 =	por !p3, p1  }
0x38: {  	s31 =	sadd.s32 $0xFFFFFFFF, s13;
	s20 =	sshll.u32 @!p1 s10, $0x3;
	s19 =	simm.s32 @!p2 $0x0  }
0x39: {  	s18 =	sadd.s32 @!p1 s2, s18;
	s17 =	smul.u32 @!p1 s19, s17;
	s19 =	sshll.u32 @!p1 s11, $0x8  }
0x3a: {  	s21 =	sxor.u32 @!p1 $0xFFFFFFFF, s13;
	s20 =	sand.u32 @!p1 $0xF0, s20;
	s18 =	sadd.s32 @!p1 s19, s18  }
0x3b: {  	s19 =	sshll.u32 @!p1 s21, $0xE;
	s21 =	simm.s32 @!p1 $0x800;
	s17 =	sand.u32 @!p1 $0x3FFFFFC0, s17  }
0x3c: {  	s18 =	sadd.s32 @!p1 s20, s18;
	s19 =	sand.u32 @!p1 $0x4000, s19;
	s20 =	simm.s32 @!p1 $0x80  }
0x3d: {  	[tilespmem:s19], [sflag:$0x1] =	stream.strided.gather @!p1 [hbm4b:s18+s20], s17, s21, s20, $0x38;
	[tilespmem:$0x10100] =	vst v63  }
0x3e: {  	p1 =	sge.u32 s31, s7  }
.Ltmp2:
0x3f: {  	_ = 	snop;
	(pc) =	sbr.rel @p1 .LBB1_5-.Ltmp2, $1  }
0x40: {  	_ =	sdelay $0x3  }
0x41: {  	p1 =	sgt.s32 s15, $0x3  }
0x42: {  	s17 =	smov.u32 s15;
	s18 =	sshra.s32 s15, $0x1F;
	s19 =	sshra.s32 s16, $0x1F  }
0x43: {  	p2 =	sgt.s32 s14, $0x1E;
	s17 =	simm.s32 @!p1 $0x3;
	s18 =	sand.u32 s18, s15  }
0x44: {  	s21 =	sshra.s32 s14, $0x1F;
	p1 =	sgt.s32 s16, $0x554;
	s17 =	ssub.s32 s17, s18  }
0x45: {  	s19 =	sand.u32 s19, s16;
	s18 =	smov.u32 s16;
	s17 =	sadd.s32 $0xFFFFFFFD, s17  }
0x46: {  	s27 =	sand.u32 s21, s14;
	s18 =	simm.s32 @!p1 $0x554;
	p1 =	sgt.s32 s17, $0x0  }
0x47: {  	s18 =	ssub.s32 s18, s19;
	s19 =	smov.u32 s14;
	s17 =	sshll.u32 s17, $0x6  }
0x48: {  	s20 =	sadd.s32 $0xFFFFFAAC, s18;
	s19 =	simm.s32 @!p2 $0x1E;
	s18 =	ssub.s32 $0x5D4, s18  }
0x49: {  	s17 =	ssub.s32 $0x40, s17;
	p2 =	sgt.s32 s20, $0x7F;
	s19 =	ssub.s32 s19, s27  }
0x4a: {  	s17 =	simm.s32 @p1 $0x0;
	s18 =	simm.s32 @p2 $0x0;
	s20 =	sadd.s32 $0xFFFFFFE2, s19  }
0x4b: {  	s19 =	ssub.s32 $0x20, s19;
	p1 =	sgt.s32 s20, $0x1;
	s17 =	smul.u32 s18, s17  }
0x4c: {  	s19 =	simm.s32 @p1 $0x0  }
0x4d: {  	s17 =	smul.u32 s19, s17;
	_ =	sdelay $0x1  }
0x4e: {  	s18 =	simm.s32 $0x1;
	s17 =	sand.u32 $0x3FFFFFC0, s17  }
0x4f: {  	s18 =	simm.s32 @!p0 $0x0;
	_ =	swait.ge [sflag:s6], s17  }
0x50: {  	s28 =	sshll.u32 s18, $0xE;
	s17 =	ssub.s32 $0x0, s17;
	[sflag:s6] =	ssyncset.done $0x0  }
0x51: {  	s19 =	sor.u32 $0x40, s28;
	[sflag:s6] =	ssyncadd.s32 s17  }
0x52: {  	v0 =	vld [tilespmem:s19+$0x20]  }
0x53: {  	v1 =	vld [tilespmem:s19+$0x30]  }
0x54: {  	v2 =	vld [tilespmem:s19+$0xFFFFFFD0]  }
0x55: {  	v3 =	vld [tilespmem:s19+$0xFFFFFFE0]  }
0x56: {  	v4 =	vld [tilespmem:s19+$0xFFFFFFF0]  }
0x57: {  	v5 =	vld [tilespmem:s19+$0x0]  }
0x58: {  	v6 =	vld [tilespmem:s19+$0x10];
	_ =	sdelay $0x1  }
0x59: {  	s29 =	smul.u32 $0x10200, s18;
	v1 =	vperm.xlane.i2c.b16 v1;
	v0 =	vperm.xlane.i2c.b16 v0  }
0x5a: {  	s30 =	sadd.s32 $0x80, s19;
	v7 =	vld [tilespmem:s19+$0xFFFFFFC0];
	v10 =	vperm.xlane.i2c.b16 v2;
	v3 =	vperm.xlane.i2c.b16 v3  }
0x5b: {  	s17 =	sshrl.u32 s29, $0x2;
	v9 =	vld [tilespmem:s30+$0x30];
	v4 =	vperm.xlane.i2c.b16 v4;
	v5 =	vperm.xlane.i2c.b16 v5  }
0x5c: {  	s18 =	sor.u32 $0x8000, s17;
	v2 =	vld [tilespmem:s30+$0x20];
	v6 =	vperm.xlane.i2c.b16 v6;
	v8 =	vcombine.low v0, v1  }
0x5d: {  	s19 =	sadd.s32 $0x0, s18;
	v0 =	vcombine.high v0, v1;
	v1 =	vld [tilespmem:s30+$0xFFFFFFD0];
	v11 =	vcombine.low v3, v4  }
0x5e: {  	v12 =	vld [tilespmem:s30+$0xFFFFFFF0];
	[tilespmem:s19+$0x1830 ss:$0x81] =	vst.msk $0xffff, v8  }
0x5f: {  	v13 =	vperm.xlane.i2c.b16 v7;
	v7 =	vcombine.low v5, v6;
	v8 =	vld [tilespmem:s30+$0xFFFFFFE0];
	[tilespmem:s19+$0x810 ss:$0x81] =	vst.msk $0xffff, v11  }
0x60: {  	v14 =	vld [tilespmem:s30+$0x0];
	v9 =	vperm.xlane.i2c.b16 v9;
	[tilespmem:s19+$0x3870 ss:$0x81] =	vst.msk $0xffff, v0;
	v0 =	vcombine.high v3, v4  }
0x61: {  	s31 =	sand.u32 $0x1, s13;
	v5 =	vcombine.high v5, v6;
	[tilespmem:s19+$0x1020 ss:$0x81] =	vst.msk $0xffff, v7;
	v3 =	vld [tilespmem:s30+$0x10];
	v11 =	vperm.xlane.i2c.b16 v2  }
0x62: {  	s20 =	sadd.s32 $0x80, s30;
	s17 =	smul.u32 $0x10200, s31;
	v4 =	vld [tilespmem:s30+$0xFFFFFFC0];
	[tilespmem:s19+$0x2850 ss:$0x81] =	vst.msk $0xffff, v0;
	v0 =	vperm.xlane.i2c.b16 v1;
	v1 =	vcombine.low v13, v10  }
0x63: {  	v7 =	vperm.xlane.i2c.b16 v12;
	v2 =	vld [tilespmem:s20+$0x20];
	[tilespmem:s19+$0x3060 ss:$0x81] =	vst.msk $0xffff, v5;
	v15 =	vcombine.low v11, v9  }
0x64: {  	s21 =	sadd.s32 $0x1, s18;
	s17 =	sshrl.u32 s17, $0x2;
	v5 =	vld [tilespmem:s20+$0x30];
	v9 =	vcombine.high v11, v9;
	v6 =	vperm.xlane.i2c.b16 v8;
	[tilespmem:s19+$0x0 ss:$0x81] =	vst.msk $0xffff, v1  }
0x65: {  	s22 =	simm.s32 $0x8;
	s23 =	simm.s32 $0xC;
	s17 =	sor.u32 $0x8000, s17;
	v10 =	vcombine.high v13, v10;
	v1 =	vld [tilespmem:s20+$0xFFFFFFD0];
	v8 =	vperm.xlane.i2c.b16 v14;
	[tilespmem:s21+$0x1830 ss:$0x81] =	vst.msk $0xffff, v15  }
.LBB1_3:
0x66: {  	p1 =	sne.s32 s23, $0x1FC;
	v11 =	vld [tilespmem:s20+$0xFFFFFFE0];
	v12 =	vcombine.low v6, v7;
	v3 =	vperm.xlane.i2c.b16 v3;
	[tilespmem:s21+$0x3870 ss:$0x81] =	vst.msk $0xffff, v9  }
0x67: {  	v13 =	vperm.xlane.i2c.b16 v4;
	v4 =	vcombine.high v6, v7;
	v9 =	vld [tilespmem:s20+$0xFFFFFFF0];
	[tilespmem:s19+$0x2040 ss:$0x81] =	vst.msk $0xffff, v10;
	s19 =	smov.u32 s21  }
0x68: {  	v10 =	vld [tilespmem:s20+$0x0];
	[tilespmem:s19+$0x810 ss:$0x81] =	vst.msk $0xffff, v12;
	v6 =	vcombine.low v8, v3;
	v7 =	vcombine.high v8, v3  }
.Ltmp3:
0x69: {  	v8 =	vperm.xlane.i2c.b16 v5;
	v12 =	vperm.xlane.i2c.b16 v2;
	v3 =	vld [tilespmem:s20+$0x10];
	[tilespmem:s19+$0x2850 ss:$0x81] =	vst.msk $0xffff, v4;
	(pc) =	sbr.rel @p1 .LBB1_3-.Ltmp3, $4  }
0x6a: {  	v14 =	vperm.xlane.i2c.b16 v1;
	v1 =	vcombine.low v13, v0;
	v4 =	vld [tilespmem:s20+$0xFFFFFFC0];
	s20 =	sadd.s32 $0x80, s20;
	[tilespmem:s19+$0x1020 ss:$0x81] =	vst.msk $0xffff, v6  }
0x6b: {  	s21 =	sshra.s32 s22, $0x2;
	s22 =	smov.u32 s23;
	v2 =	vld [tilespmem:s20+$0x20];
	v6 =	vperm.xlane.i2c.b16 v11;
	v11 =	vcombine.low v12, v8;
	[tilespmem:s19+$0x3060 ss:$0x81] =	vst.msk $0xffff, v7  }
0x6c: {  	s21 =	sadd.s32 s21, s18;
	v5 =	vld [tilespmem:s20+$0x30];
	v7 =	vperm.xlane.i2c.b16 v9;
	v9 =	vcombine.high v12, v8;
	[tilespmem:s19+$0x0 ss:$0x81] =	vst.msk $0xffff, v1  }
0x6d: {  	s23 =	sadd.s32 $0x4, s23;
	v1 =	vld [tilespmem:s20+$0xFFFFFFD0];
	v8 =	vperm.xlane.i2c.b16 v10;
	[tilespmem:s21+$0x1830 ss:$0x81] =	vst.msk $0xffff, v11;
	v10 =	vcombine.high v13, v0;
	v0 =	vmov v14  }
.Ltmp4:
0x6e: {  	_ = 	snop;
	(pc) =	sbr.rel .LBB1_4-.Ltmp4, $1  }
0x6f: {  	_ =	sdelay $0x3  }
.LBB1_6:
0x70: {  	_ =	sfence.sel $0x180000  }
0x71: {  	s2 =	simm.s32 $0x1;
	[bflag:$0x0] =	sbarrier.arrive $0xFFFF  }
0x72: {  	s31 =	simm.s32 $0x2;
	[sflag:s2] =	ssyncpa.u1 $0x1  }
0x73: {  	[sflag:s31] =	ssyncpa.u1 $0x1  }
0x74: {  	p0 =	sne.s32 s1, $0x0;
	_ =	strace $0x90000059  }
0x75: {  	s0 =	sadd.s32 @!p0 $0x100000, s0;
	[bflag:$0x2] =	sbarrier.arrive $0xFFFF  }
0x76: {  	[sflag:s0] =	ssyncadd.tile.s32 @!p0 $0x1;
	_ =	shalt  }
.Lfunc_end1:
_tile_overlayer_lowered:
.L_overlay_start_2:
0x77: {  	(tag) =	ssettag $0x2  }
0x78: {  	s0 =	rddreg [dreg:$0x0];
	s2 =	stileid.u32  }
0x79: {  	s1 =	rddreg [dreg:$0x1];
	p0 =	sne.s32 s2, $0x0  }
0x7a: {  	s3 =	rddreg [dreg:$0x2];
	[bflag:$0x3] =	sbarrier.arrive $0xFFFF;
	s2 =	simm.s32 @!p0 $0x1C01  }
0x7b: {  	[timem:s3], [sflag:s2] =	dma.local @!p0 [hbm:s0], s1  }
0x7c: {  	s0 =	simm.s32 @!p0 $0x1  }
0x7d: {  	_ =	swait.ge @!p0 [sflag:s0], s1  }
0x7e: {  	s1 =	ssub.s32 @!p0 $0x0, s1;
	[sflag:s0] =	ssyncset.done @!p0 $0x0  }
0x7f: {  	[sflag:s0] =	ssyncadd.s32 @!p0 s1  }
0x80: {  	[bflag:$0x3] =	sbarrier.arrive $0xFFFF  }
0x81: {  	_ =	shalt  }

</sc_bundles>
